<compile_context>
chip_gen: v7x
topology: tpu7x:2x2x1
jax: 0.10.2.dev20260603
libtpu: 0.0.44.dev20260713+nightly
codegen_flags: <defaults>
</compile_context>

<pallas_src>
import functools

import jax
import jax.numpy as jnp
from jax import lax
from jax.experimental import pallas as pl
from jax.experimental.pallas import tpu as pltpu
from jax.experimental.pallas import tpu_sc as plsc

VOCAB = 100000
PAD = 1
L = 200
B = 1024

NC, NS, LANES = 2, 16, 16
NW = NC * NS
SENT_PER_W = B // NW
CHUNKS = (L + LANES - 1) // LANES
TAIL = L - (CHUNKS - 1) * LANES
TOK_PER_W = SENT_PER_W * L
GSPLIT = 4
SENT_PER_G = SENT_PER_W // GSPLIT
TOK_PER_G = SENT_PER_G * L


def _nb_body(toks_hbm, lcr_hbm, out_hbm, toks_v, vals_v, stamp_v, score_v,
             lcr_sh, sem_t, sem_g):
    cid = lax.axis_index("c")
    sid = lax.axis_index("s")
    wid = sid * NC + cid

    with jax.named_scope("stage_tokens_start"):
        tok_copy = pltpu.async_copy(
            toks_hbm.at[pl.ds(wid * TOK_PER_W, TOK_PER_W)],
            toks_v.at[pl.ds(0, TOK_PER_W)], sem_t)

    with jax.named_scope("stage_table"):
        @pl.when(sid == 0)
        def _():
            pltpu.sync_copy(lcr_hbm, lcr_sh)

        plsc.subcore_barrier()

    with jax.named_scope("stage_tokens_wait"):
        tok_copy.wait()

    with jax.named_scope("gather_fire"):
        gathers = []
        for g in range(GSPLIT):
            gathers.append(pltpu.async_copy(
                lcr_sh.at[toks_v.at[pl.ds(g * TOK_PER_G, TOK_PER_G)]],
                vals_v.at[pl.ds(g * TOK_PER_G, TOK_PER_G)], sem_g))

    lanes = lax.iota(jnp.int32, LANES)
    tail_mask = lanes < TAIL

    def sentence(s, carry):
        base = s * L
        for k in range(CHUNKS):
            tok = toks_v[pl.ds(base + k * LANES, LANES)]
            marker = lanes + (s * 256 + k * LANES)
            if k == CHUNKS - 1:
                plsc.store_scatter(stamp_v, [tok], marker, mask=tail_mask)
            else:
                plsc.store_scatter(stamp_v, [tok], marker)
        acc = jnp.zeros((LANES,), jnp.float32)
        for k in range(CHUNKS):
            tok = toks_v[pl.ds(base + k * LANES, LANES)]
            val = vals_v[pl.ds(base + k * LANES, LANES)]
            if k == CHUNKS - 1:
                back = plsc.load_gather(stamp_v, [tok], mask=tail_mask)
            else:
                back = plsc.load_gather(stamp_v, [tok])
            marker = lanes + (s * 256 + k * LANES)
            keep = (back == marker) & (tok != PAD)
            if k == CHUNKS - 1:
                keep = keep & tail_mask
            acc = acc + jnp.where(keep, val, 0.0)
        total = jnp.sum(acc)
        plsc.store_scatter(
            score_v,
            [jnp.zeros((LANES,), jnp.int32) + s],
            jnp.broadcast_to(total, (LANES,)),
            mask=lanes == 0,
        )
        return carry

    for g in range(GSPLIT):
        with jax.named_scope("gather_wait"):
            gathers[g].wait()
        with jax.named_scope("dedup_compute"):
            lax.fori_loop(g * SENT_PER_G, (g + 1) * SENT_PER_G, sentence, 0)

    with jax.named_scope("store_scores"):
        pltpu.sync_copy(score_v, out_hbm.at[pl.ds(wid * SENT_PER_W, SENT_PER_W)])


_nb_kernel = functools.partial(
    pl.kernel,
    out_type=jax.ShapeDtypeStruct((B,), jnp.float32),
    mesh=plsc.VectorSubcoreMesh(core_axis_name="c", subcore_axis_name="s"),
    compiler_params=pltpu.CompilerParams(needs_layout_passes=False),
    scratch_types=[
        pltpu.VMEM((TOK_PER_W + LANES,), jnp.int32),
        pltpu.VMEM((TOK_PER_W + LANES,), jnp.float32),
        pltpu.VMEM((VOCAB,), jnp.int32),
        pltpu.VMEM((SENT_PER_W,), jnp.float32),
        pltpu.VMEM_SHARED((VOCAB,), jnp.float32),
        pltpu.SemaphoreType.DMA,
        pltpu.SemaphoreType.DMA,
    ],
)(_nb_body)


@jax.jit
def kernel(sentences, log_count_ratio, bias):
    toks = sentences.T.reshape(B * L)
    scores = _nb_kernel(toks, log_count_ratio) + bias
    return jnp.stack([-scores, scores], axis=1)

# --- scband reference (transcript-rebuilt; emitter-appended) ---
"""Pipeline reference for scband-naive-bayes-7181185319155 (READ-ONLY COPY).

The authoritative reference and input builder live on the scoring server;
editing this copy changes nothing except your own understanding.
"""

import jax, jax.numpy as jnp
import numpy as np

VOCAB = 100000
PAD = 1  # vocabulary.stoi['<pad>'] convention (torchtext default pad index)
L = 200
B = 1024


def setup_inputs(seed: int = 0) -> dict:
    key = jax.random.key(seed)
    k1, k2, k3 = jax.random.split(key, 3)
    sentences = jax.random.randint(k1, (L, B), 0, VOCAB, dtype=jnp.int32)
    # Learned statistics that NaiveBayes.train() would have produced
    log_count_ratio = jax.random.normal(k2, (VOCAB,), dtype=jnp.float32) * 0.1
    bias = (jax.random.normal(k3, (), dtype=jnp.float32) * 0.1)
    return {"sentences": sentences, "log_count_ratio": log_count_ratio, "bias": bias}


def reference(sentences, log_count_ratio, bias):
    # sentences: int32[L, B]. Original featurize builds a BINARY bag-of-words
    # (repeated tokens count once, pad excluded), then dots with log_count_ratio.
    # Equivalent: gather log_count_ratio at each token, mask pads and duplicate
    # (non-first) occurrences within a sentence, then row-sum.
    t = sentences.T  # [B, L]
    eq = t[:, :, None] == t[:, None, :]  # [B, L, L]
    earlier = jnp.tril(jnp.ones((L, L), dtype=bool), -1)  # strictly earlier positions
    is_dup = jnp.any(eq & earlier[None, :, :], axis=2)  # token already seen earlier in row
    valid = (t != PAD) & (~is_dup)  # [B, L]
    gathered = jnp.take(log_count_ratio, t, axis=0)  # [B, L] gather
    score = jnp.sum(gathered * valid.astype(gathered.dtype), axis=1) + bias  # [B]
    return jnp.stack([-score, score], axis=1)  # [B, 2] -> (-score, score) per sentence

if __name__ == "__main__":
    import jax
    _d = setup_inputs()
    print(jax.jit(kernel)(*tuple(_d.values())))

</pallas_src>

<mosaic_0001>
#map = affine_map<(d0, d1) -> (0)>
module attributes {stable_mosaic.version = 14 : i64} {
  func.func @_nb_body(%arg0: i32, %arg1: i32, %arg2: memref<204800xi32, #tpu.memory_space<hbm>>, %arg3: memref<100000xf32, #tpu.memory_space<hbm>>, %arg4: memref<1024xf32, #tpu.memory_space<hbm>>, %arg5: memref<6416xi32, #tpu.memory_space<vmem>>, %arg6: memref<6416xf32, #tpu.memory_space<vmem>>, %arg7: memref<100000xi32, #tpu.memory_space<vmem>>, %arg8: memref<32xf32, #tpu.memory_space<vmem>>, %arg9: memref<100000xf32, #tpu.memory_space<vmem_shared>>, %arg10: memref<!tpu.dma_semaphore, #tpu.memory_space<semaphore_mem>>, %arg11: memref<!tpu.dma_semaphore, #tpu.memory_space<semaphore_mem>>) attributes {dimension_semantics = [#tpu.dimension_semantics<core_parallel>, #tpu.dimension_semantics<subcore_parallel>], iteration_bounds = array<i64: 2, 16>, scalar_prefetch = 0 : i64, scratch_operands = 7 : i64, tpu.core_type = #tpu.core_type<sc_vector_subcore>, window_params = [{transform_indices = #map}, {transform_indices = #map}, {transform_indices = #map}]} {
    %mul3A = arith.constant 2 : i32
    %mul3A_0 = arith.muli %arg1, %mul3A : i32
    %add3A = arith.addi %mul3A_0, %arg0 : i32
    "tpu.trace_start"() <{level = 10 : i32, message = "stage_tokens_start"}> : () -> ()
    %mul3A_1 = arith.constant 6400 : i32
    %mul3A_2 = arith.muli %add3A, %mul3A_1 : i32
    %dma_start3A = arith.constant 0 : i32
    %dma_start3A_3 = tpu.memref_slice %arg5[%dma_start3A] : memref<6416xi32, #tpu.memory_space<vmem>> -> memref<6400xi32, #tpu.memory_space<vmem>>
    %dma_start3A_4 = tpu.memref_slice %arg2[%mul3A_2] : memref<204800xi32, #tpu.memory_space<hbm>> -> memref<6400xi32, #tpu.memory_space<hbm>>
    %dma_start3A_5 = arith.constant 0 : i32
    %dma_start3A_6 = tpu.memref_slice %arg5[%dma_start3A_5] : memref<6416xi32, #tpu.memory_space<vmem>> -> memref<6400xi32, #tpu.memory_space<vmem>>
    %dma_start3A_7 = tpu.memref_slice %arg2[%mul3A_2] : memref<204800xi32, #tpu.memory_space<hbm>> -> memref<6400xi32, #tpu.memory_space<hbm>>
    tpu.enqueue_dma source(%dma_start3A_7 : memref<6400xi32, #tpu.memory_space<hbm>>) target(%dma_start3A_6 : memref<6400xi32, #tpu.memory_space<vmem>>) target_semaphore(%arg10 : memref<!tpu.dma_semaphore, #tpu.memory_space<semaphore_mem>>)
    %eq3A = arith.constant 0 : i32
    "tpu.trace_stop"() : () -> ()
    "tpu.trace_start"() <{level = 10 : i32, message = "stage_table"}> : () -> ()
    %eq3A_8 = arith.cmpi eq, %arg1, %eq3A : i32
    %convert_element_type3A = arith.extui %eq3A_8 : i1 to i32
    %cond3A = arith.constant 0 : i32
    %cond3A_9 = arith.cmpi ne, %convert_element_type3A, %cond3A : i32
    scf.if %cond3A_9 {
      "tpu.region"() ({
        %run_scoped3A = tpu.sem_alloc : memref<!tpu.dma_semaphore, #tpu.memory_space<semaphore_mem>>
        tpu.enqueue_dma source(%arg3 : memref<100000xf32, #tpu.memory_space<hbm>>) target(%arg9 : memref<100000xf32, #tpu.memory_space<vmem_shared>>) target_semaphore(%run_scoped3A : memref<!tpu.dma_semaphore, #tpu.memory_space<semaphore_mem>>)
        tpu.wait_dma2 semaphore(%run_scoped3A : memref<!tpu.dma_semaphore, #tpu.memory_space<semaphore_mem>>) src(%arg3 : memref<100000xf32, #tpu.memory_space<hbm>>) dst(%arg9 : memref<100000xf32, #tpu.memory_space<vmem_shared>>)
        tpu.yield
      }) : () -> ()
    } else {
    }
    %barrier3A = arith.constant 0 : index
    tpu.barrier barrier_id(%barrier3A)
    "tpu.trace_stop"() : () -> ()
    "tpu.trace_start"() <{level = 10 : i32, message = "stage_tokens_wait"}> : () -> ()
    %dma_wait3A = arith.constant 0 : i32
    %dma_wait3A_10 = tpu.memref_slice %arg5[%dma_wait3A] : memref<6416xi32, #tpu.memory_space<vmem>> -> memref<6400xi32, #tpu.memory_space<vmem>>
    %dma_wait3A_11 = tpu.memref_slice %arg2[%mul3A_2] : memref<204800xi32, #tpu.memory_space<hbm>> -> memref<6400xi32, #tpu.memory_space<hbm>>
    %dma_wait3A_12 = arith.constant 0 : i32
    %dma_wait3A_13 = tpu.memref_slice %arg5[%dma_wait3A_12] : memref<6416xi32, #tpu.memory_space<vmem>> -> memref<6400xi32, #tpu.memory_space<vmem>>
    %dma_wait3A_14 = tpu.memref_slice %arg2[%mul3A_2] : memref<204800xi32, #tpu.memory_space<hbm>> -> memref<6400xi32, #tpu.memory_space<hbm>>
    tpu.wait_dma2 semaphore(%arg10 : memref<!tpu.dma_semaphore, #tpu.memory_space<semaphore_mem>>) src(%dma_wait3A_14 : memref<6400xi32, #tpu.memory_space<hbm>>) dst(%dma_wait3A_13 : memref<6400xi32, #tpu.memory_space<vmem>>)
    "tpu.trace_stop"() : () -> ()
    "tpu.trace_start"() <{level = 10 : i32, message = "gather_fire"}> : () -> ()
    %dma_start3A_15 = arith.constant 0 : i32
    %dma_start3A_16 = tpu.memref_slice %arg6[%dma_start3A_15] : memref<6416xf32, #tpu.memory_space<vmem>> -> memref<1600xf32, #tpu.memory_space<vmem>>
    %dma_start3A_17 = arith.constant 0 : i32
    %dma_start3A_18 = tpu.memref_slice %arg5[%dma_start3A_17] : memref<6416xi32, #tpu.memory_space<vmem>> -> memref<1600xi32, #tpu.memory_space<vmem>>
    %dma_start3A_19 = arith.constant 0 : i32
    %dma_start3A_20 = tpu.memref_slice %arg9[%dma_start3A_19] : memref<100000xf32, #tpu.memory_space<vmem_shared>> -> memref<100000xf32, #tpu.memory_space<vmem_shared>>
    tpu.enqueue_indirect_dma source(%dma_start3A_20 : memref<100000xf32, #tpu.memory_space<vmem_shared>>) target(%dma_start3A_16 : memref<1600xf32, #tpu.memory_space<vmem>>) offsets(%dma_start3A_18 : memref<1600xi32, #tpu.memory_space<vmem>>) semaphore(%arg11 : memref<!tpu.dma_semaphore, #tpu.memory_space<semaphore_mem>>)
    %dma_start3A_21 = arith.constant 1600 : i32
    %dma_start3A_22 = tpu.memref_slice %arg6[%dma_start3A_21] : memref<6416xf32, #tpu.memory_space<vmem>> -> memref<1600xf32, #tpu.memory_space<vmem>>
    %dma_start3A_23 = arith.constant 1600 : i32
    %dma_start3A_24 = tpu.memref_slice %arg5[%dma_start3A_23] : memref<6416xi32, #tpu.memory_space<vmem>> -> memref<1600xi32, #tpu.memory_space<vmem>>
    %dma_start3A_25 = arith.constant 0 : i32
    %dma_start3A_26 = tpu.memref_slice %arg9[%dma_start3A_25] : memref<100000xf32, #tpu.memory_space<vmem_shared>> -> memref<100000xf32, #tpu.memory_space<vmem_shared>>
    tpu.enqueue_indirect_dma source(%dma_start3A_26 : memref<100000xf32, #tpu.memory_space<vmem_shared>>) target(%dma_start3A_22 : memref<1600xf32, #tpu.memory_space<vmem>>) offsets(%dma_start3A_24 : memref<1600xi32, #tpu.memory_space<vmem>>) semaphore(%arg11 : memref<!tpu.dma_semaphore, #tpu.memory_space<semaphore_mem>>)
    %dma_start3A_27 = arith.constant 3200 : i32
    %dma_start3A_28 = tpu.memref_slice %arg6[%dma_start3A_27] : memref<6416xf32, #tpu.memory_space<vmem>> -> memref<1600xf32, #tpu.memory_space<vmem>>
    %dma_start3A_29 = arith.constant 3200 : i32
    %dma_start3A_30 = tpu.memref_slice %arg5[%dma_start3A_29] : memref<6416xi32, #tpu.memory_space<vmem>> -> memref<1600xi32, #tpu.memory_space<vmem>>
    %dma_start3A_31 = arith.constant 0 : i32
    %dma_start3A_32 = tpu.memref_slice %arg9[%dma_start3A_31] : memref<100000xf32, #tpu.memory_space<vmem_shared>> -> memref<100000xf32, #tpu.memory_space<vmem_shared>>
    tpu.enqueue_indirect_dma source(%dma_start3A_32 : memref<100000xf32, #tpu.memory_space<vmem_shared>>) target(%dma_start3A_28 : memref<1600xf32, #tpu.memory_space<vmem>>) offsets(%dma_start3A_30 : memref<1600xi32, #tpu.memory_space<vmem>>) semaphore(%arg11 : memref<!tpu.dma_semaphore, #tpu.memory_space<semaphore_mem>>)
    %dma_start3A_33 = arith.constant 4800 : i32
    %dma_start3A_34 = tpu.memref_slice %arg6[%dma_start3A_33] : memref<6416xf32, #tpu.memory_space<vmem>> -> memref<1600xf32, #tpu.memory_space<vmem>>
    %dma_start3A_35 = arith.constant 4800 : i32
    %dma_start3A_36 = tpu.memref_slice %arg5[%dma_start3A_35] : memref<6416xi32, #tpu.memory_space<vmem>> -> memref<1600xi32, #tpu.memory_space<vmem>>
    %dma_start3A_37 = arith.constant 0 : i32
    %dma_start3A_38 = tpu.memref_slice %arg9[%dma_start3A_37] : memref<100000xf32, #tpu.memory_space<vmem_shared>> -> memref<100000xf32, #tpu.memory_space<vmem_shared>>
    tpu.enqueue_indirect_dma source(%dma_start3A_38 : memref<100000xf32, #tpu.memory_space<vmem_shared>>) target(%dma_start3A_34 : memref<1600xf32, #tpu.memory_space<vmem>>) offsets(%dma_start3A_36 : memref<1600xi32, #tpu.memory_space<vmem>>) semaphore(%arg11 : memref<!tpu.dma_semaphore, #tpu.memory_space<semaphore_mem>>)
    "tpu.trace_stop"() : () -> ()
    %iota3A = tpu.iota {dimensions = array<i32: 0>} : vector<16xi32>
    %lt3A = arith.constant 8 : i32
    %lt3A_39 = vector.broadcast %lt3A : i32 to vector<16xi32>
    %lt3A_40 = arith.cmpi slt, %iota3A, %lt3A_39 : vector<16xi32>
    "tpu.trace_start"() <{level = 10 : i32, message = "gather_wait"}> : () -> ()
    %dma_wait3A_41 = arith.constant 0 : i32
    %dma_wait3A_42 = tpu.memref_slice %arg6[%dma_wait3A_41] : memref<6416xf32, #tpu.memory_space<vmem>> -> memref<1600xf32, #tpu.memory_space<vmem>>
    %dma_wait3A_43 = arith.constant 0 : i32
    %dma_wait3A_44 = tpu.memref_slice %arg5[%dma_wait3A_43] : memref<6416xi32, #tpu.memory_space<vmem>> -> memref<1600xi32, #tpu.memory_space<vmem>>
    %dma_wait3A_45 = arith.constant 0 : i32
    %dma_wait3A_46 = tpu.memref_slice %arg9[%dma_wait3A_45] : memref<100000xf32, #tpu.memory_space<vmem_shared>> -> memref<100000xf32, #tpu.memory_space<vmem_shared>>
    tpu.wait_indirect_dma semaphore(%arg11 : memref<!tpu.dma_semaphore, #tpu.memory_space<semaphore_mem>>) src(%dma_wait3A_46 : memref<100000xf32, #tpu.memory_space<vmem_shared>>) dst(%dma_wait3A_42 : memref<1600xf32, #tpu.memory_space<vmem>>)
    "tpu.trace_stop"() : () -> ()
    "tpu.trace_start"() <{level = 10 : i32, message = "dedup_compute"}> : () -> ()
    %scan3A = arith.constant 0 : i32
    %scan3A_47 = arith.constant 0 : i32
    %scan3A_48 = arith.constant 8 : i32
    %scan3A_49 = arith.addi %scan3A_47, %scan3A_48 : i32
    %scan3A_50 = arith.constant 1 : i32
    scf.for %scan3A_90 = %scan3A_47 to %scan3A_49 step %scan3A_50  : i32 {
      %mul3A_91 = arith.constant 200 : i32
      %mul3A_92 = arith.muli %scan3A_90, %mul3A_91 : i32
      %add3A_93 = arith.constant 0 : i32
      %add3A_94 = arith.addi %mul3A_92, %add3A_93 : i32
      %get3A = arith.index_cast %add3A_94 : i32 to index
      %get3A_95 = tpu.vector_load %arg5[%get3A] {strides = array<i32>} : memref<6416xi32, #tpu.memory_space<vmem>>, vector<16xi32>,
      %mul3A_96 = arith.constant 256 : i32
      %mul3A_97 = arith.muli %scan3A_90, %mul3A_96 : i32
      %add3A_98 = arith.constant 0 : i32
      %add3A_99 = arith.addi %mul3A_97, %add3A_98 : i32
      %add3A_100 = vector.broadcast %add3A_99 : i32 to vector<16xi32>
      %add3A_101 = arith.addi %iota3A, %add3A_100 : vector<16xi32>
      tpu.vector_store_idx %arg7[%get3A_95], %add3A_101 : memref<100000xi32, #tpu.memory_space<vmem>>[vector<16xi32>], vector<16xi32>,
      %add3A_102 = arith.constant 16 : i32
      %add3A_103 = arith.addi %mul3A_92, %add3A_102 : i32
      %get3A_104 = arith.index_cast %add3A_103 : i32 to index
      %get3A_105 = tpu.vector_load %arg5[%get3A_104] {strides = array<i32>} : memref<6416xi32, #tpu.memory_space<vmem>>, vector<16xi32>,
      %mul3A_106 = arith.constant 256 : i32
      %mul3A_107 = arith.muli %scan3A_90, %mul3A_106 : i32
      %add3A_108 = arith.constant 16 : i32
      %add3A_109 = arith.addi %mul3A_107, %add3A_108 : i32
      %add3A_110 = vector.broadcast %add3A_109 : i32 to vector<16xi32>
      %add3A_111 = arith.addi %iota3A, %add3A_110 : vector<16xi32>
      tpu.vector_store_idx %arg7[%get3A_105], %add3A_111 : memref<100000xi32, #tpu.memory_space<vmem>>[vector<16xi32>], vector<16xi32>,
      %add3A_112 = arith.constant 32 : i32
      %add3A_113 = arith.addi %mul3A_92, %add3A_112 : i32
      %get3A_114 = arith.index_cast %add3A_113 : i32 to index
      %get3A_115 = tpu.vector_load %arg5[%get3A_114] {strides = array<i32>} : memref<6416xi32, #tpu.memory_space<vmem>>, vector<16xi32>,
      %mul3A_116 = arith.constant 256 : i32
      %mul3A_117 = arith.muli %scan3A_90, %mul3A_116 : i32
      %add3A_118 = arith.constant 32 : i32
      %add3A_119 = arith.addi %mul3A_117, %add3A_118 : i32
      %add3A_120 = vector.broadcast %add3A_119 : i32 to vector<16xi32>
      %add3A_121 = arith.addi %iota3A, %add3A_120 : vector<16xi32>
      tpu.vector_store_idx %arg7[%get3A_115], %add3A_121 : memref<100000xi32, #tpu.memory_space<vmem>>[vector<16xi32>], vector<16xi32>,
      %add3A_122 = arith.constant 48 : i32
      %add3A_123 = arith.addi %mul3A_92, %add3A_122 : i32
      %get3A_124 = arith.index_cast %add3A_123 : i32 to index
      %get3A_125 = tpu.vector_load %arg5[%get3A_124] {strides = array<i32>} : memref<6416xi32, #tpu.memory_space<vmem>>, vector<16xi32>,
      %mul3A_126 = arith.constant 256 : i32
      %mul3A_127 = arith.muli %scan3A_90, %mul3A_126 : i32
      %add3A_128 = arith.constant 48 : i32
      %add3A_129 = arith.addi %mul3A_127, %add3A_128 : i32
      %add3A_130 = vector.broadcast %add3A_129 : i32 to vector<16xi32>
      %add3A_131 = arith.addi %iota3A, %add3A_130 : vector<16xi32>
      tpu.vector_store_idx %arg7[%get3A_125], %add3A_131 : memref<100000xi32, #tpu.memory_space<vmem>>[vector<16xi32>], vector<16xi32>,
      %add3A_132 = arith.constant 64 : i32
      %add3A_133 = arith.addi %mul3A_92, %add3A_132 : i32
      %get3A_134 = arith.index_cast %add3A_133 : i32 to index
      %get3A_135 = tpu.vector_load %arg5[%get3A_134] {strides = array<i32>} : memref<6416xi32, #tpu.memory_space<vmem>>, vector<16xi32>,
      %mul3A_136 = arith.constant 256 : i32
      %mul3A_137 = arith.muli %scan3A_90, %mul3A_136 : i32
      %add3A_138 = arith.constant 64 : i32
      %add3A_139 = arith.addi %mul3A_137, %add3A_138 : i32
      %add3A_140 = vector.broadcast %add3A_139 : i32 to vector<16xi32>
      %add3A_141 = arith.addi %iota3A, %add3A_140 : vector<16xi32>
      tpu.vector_store_idx %arg7[%get3A_135], %add3A_141 : memref<100000xi32, #tpu.memory_space<vmem>>[vector<16xi32>], vector<16xi32>,
      %add3A_142 = arith.constant 80 : i32
      %add3A_143 = arith.addi %mul3A_92, %add3A_142 : i32
      %get3A_144 = arith.index_cast %add3A_143 : i32 to index
      %get3A_145 = tpu.vector_load %arg5[%get3A_144] {strides = array<i32>} : memref<6416xi32, #tpu.memory_space<vmem>>, vector<16xi32>,
      %mul3A_146 = arith.constant 256 : i32
      %mul3A_147 = arith.muli %scan3A_90, %mul3A_146 : i32
      %add3A_148 = arith.constant 80 : i32
      %add3A_149 = arith.addi %mul3A_147, %add3A_148 : i32
      %add3A_150 = vector.broadcast %add3A_149 : i32 to vector<16xi32>
      %add3A_151 = arith.addi %iota3A, %add3A_150 : vector<16xi32>
      tpu.vector_store_idx %arg7[%get3A_145], %add3A_151 : memref<100000xi32, #tpu.memory_space<vmem>>[vector<16xi32>], vector<16xi32>,
      %add3A_152 = arith.constant 96 : i32
      %add3A_153 = arith.addi %mul3A_92, %add3A_152 : i32
      %get3A_154 = arith.index_cast %add3A_153 : i32 to index
      %get3A_155 = tpu.vector_load %arg5[%get3A_154] {strides = array<i32>} : memref<6416xi32, #tpu.memory_space<vmem>>, vector<16xi32>,
      %mul3A_156 = arith.constant 256 : i32
      %mul3A_157 = arith.muli %scan3A_90, %mul3A_156 : i32
      %add3A_158 = arith.constant 96 : i32
      %add3A_159 = arith.addi %mul3A_157, %add3A_158 : i32
      %add3A_160 = vector.broadcast %add3A_159 : i32 to vector<16xi32>
      %add3A_161 = arith.addi %iota3A, %add3A_160 : vector<16xi32>
      tpu.vector_store_idx %arg7[%get3A_155], %add3A_161 : memref<100000xi32, #tpu.memory_space<vmem>>[vector<16xi32>], vector<16xi32>,
      %add3A_162 = arith.constant 112 : i32
      %add3A_163 = arith.addi %mul3A_92, %add3A_162 : i32
      %get3A_164 = arith.index_cast %add3A_163 : i32 to index
      %get3A_165 = tpu.vector_load %arg5[%get3A_164] {strides = array<i32>} : memref<6416xi32, #tpu.memory_space<vmem>>, vector<16xi32>,
      %mul3A_166 = arith.constant 256 : i32
      %mul3A_167 = arith.muli %scan3A_90, %mul3A_166 : i32
      %add3A_168 = arith.constant 112 : i32
      %add3A_169 = arith.addi %mul3A_167, %add3A_168 : i32
      %add3A_170 = vector.broadcast %add3A_169 : i32 to vector<16xi32>
      %add3A_171 = arith.addi %iota3A, %add3A_170 : vector<16xi32>
      tpu.vector_store_idx %arg7[%get3A_165], %add3A_171 : memref<100000xi32, #tpu.memory_space<vmem>>[vector<16xi32>], vector<16xi32>,
      %add3A_172 = arith.constant 128 : i32
      %add3A_173 = arith.addi %mul3A_92, %add3A_172 : i32
      %get3A_174 = arith.index_cast %add3A_173 : i32 to index
      %get3A_175 = tpu.vector_load %arg5[%get3A_174] {strides = array<i32>} : memref<6416xi32, #tpu.memory_space<vmem>>, vector<16xi32>,
      %mul3A_176 = arith.constant 256 : i32
      %mul3A_177 = arith.muli %scan3A_90, %mul3A_176 : i32
      %add3A_178 = arith.constant 128 : i32
      %add3A_179 = arith.addi %mul3A_177, %add3A_178 : i32
      %add3A_180 = vector.broadcast %add3A_179 : i32 to vector<16xi32>
      %add3A_181 = arith.addi %iota3A, %add3A_180 : vector<16xi32>
      tpu.vector_store_idx %arg7[%get3A_175], %add3A_181 : memref<100000xi32, #tpu.memory_space<vmem>>[vector<16xi32>], vector<16xi32>,
      %add3A_182 = arith.constant 144 : i32
      %add3A_183 = arith.addi %mul3A_92, %add3A_182 : i32
      %get3A_184 = arith.index_cast %add3A_183 : i32 to index
      %get3A_185 = tpu.vector_load %arg5[%get3A_184] {strides = array<i32>} : memref<6416xi32, #tpu.memory_space<vmem>>, vector<16xi32>,
      %mul3A_186 = arith.constant 256 : i32
      %mul3A_187 = arith.muli %scan3A_90, %mul3A_186 : i32
      %add3A_188 = arith.constant 144 : i32
      %add3A_189 = arith.addi %mul3A_187, %add3A_188 : i32
      %add3A_190 = vector.broadcast %add3A_189 : i32 to vector<16xi32>
      %add3A_191 = arith.addi %iota3A, %add3A_190 : vector<16xi32>
      tpu.vector_store_idx %arg7[%get3A_185], %add3A_191 : memref<100000xi32, #tpu.memory_space<vmem>>[vector<16xi32>], vector<16xi32>,
      %add3A_192 = arith.constant 160 : i32
      %add3A_193 = arith.addi %mul3A_92, %add3A_192 : i32
      %get3A_194 = arith.index_cast %add3A_193 : i32 to index
      %get3A_195 = tpu.vector_load %arg5[%get3A_194] {strides = array<i32>} : memref<6416xi32, #tpu.memory_space<vmem>>, vector<16xi32>,
      %mul3A_196 = arith.constant 256 : i32
      %mul3A_197 = arith.muli %scan3A_90, %mul3A_196 : i32
      %add3A_198 = arith.constant 160 : i32
      %add3A_199 = arith.addi %mul3A_197, %add3A_198 : i32
      %add3A_200 = vector.broadcast %add3A_199 : i32 to vector<16xi32>
      %add3A_201 = arith.addi %iota3A, %add3A_200 : vector<16xi32>
      tpu.vector_store_idx %arg7[%get3A_195], %add3A_201 : memref<100000xi32, #tpu.memory_space<vmem>>[vector<16xi32>], vector<16xi32>,
      %add3A_202 = arith.constant 176 : i32
      %add3A_203 = arith.addi %mul3A_92, %add3A_202 : i32
      %get3A_204 = arith.index_cast %add3A_203 : i32 to index
      %get3A_205 = tpu.vector_load %arg5[%get3A_204] {strides = array<i32>} : memref<6416xi32, #tpu.memory_space<vmem>>, vector<16xi32>,
      %mul3A_206 = arith.constant 256 : i32
      %mul3A_207 = arith.muli %scan3A_90, %mul3A_206 : i32
      %add3A_208 = arith.constant 176 : i32
      %add3A_209 = arith.addi %mul3A_207, %add3A_208 : i32
      %add3A_210 = vector.broadcast %add3A_209 : i32 to vector<16xi32>
      %add3A_211 = arith.addi %iota3A, %add3A_210 : vector<16xi32>
      tpu.vector_store_idx %arg7[%get3A_205], %add3A_211 : memref<100000xi32, #tpu.memory_space<vmem>>[vector<16xi32>], vector<16xi32>,
      %add3A_212 = arith.constant 192 : i32
      %add3A_213 = arith.addi %mul3A_92, %add3A_212 : i32
      %get3A_214 = arith.index_cast %add3A_213 : i32 to index
      %get3A_215 = tpu.vector_load %arg5[%get3A_214] {strides = array<i32>} : memref<6416xi32, #tpu.memory_space<vmem>>, vector<16xi32>,
      %mul3A_216 = arith.constant 256 : i32
      %mul3A_217 = arith.muli %scan3A_90, %mul3A_216 : i32
      %add3A_218 = arith.constant 192 : i32
      %add3A_219 = arith.addi %mul3A_217, %add3A_218 : i32
      %add3A_220 = vector.broadcast %add3A_219 : i32 to vector<16xi32>
      %add3A_221 = arith.addi %iota3A, %add3A_220 : vector<16xi32>
      tpu.vector_store_idx %arg7[%get3A_215], %add3A_221 masked %lt3A_40 : memref<100000xi32, #tpu.memory_space<vmem>>[vector<16xi32>], vector<16xi32>, vector<16xi1>
      %broadcast_in_dim3A = arith.constant 0.000000e+00 : f32
      %broadcast_in_dim3A_222 = vector.broadcast %broadcast_in_dim3A : f32 to vector<16xf32>
      %add3A_223 = arith.constant 0 : i32
      %add3A_224 = arith.addi %mul3A_92, %add3A_223 : i32
      %get3A_225 = arith.index_cast %add3A_224 : i32 to index
      %get3A_226 = tpu.vector_load %arg5[%get3A_225] {strides = array<i32>} : memref<6416xi32, #tpu.memory_space<vmem>>, vector<16xi32>,
      %add3A_227 = arith.constant 0 : i32
      %add3A_228 = arith.addi %mul3A_92, %add3A_227 : i32
      %get3A_229 = arith.index_cast %add3A_228 : i32 to index
      %get3A_230 = tpu.vector_load %arg6[%get3A_229] {strides = array<i32>} : memref<6416xf32, #tpu.memory_space<vmem>>, vector<16xf32>,
      %gather3A = tpu.vector_load_idx %arg7[%get3A_226] : memref<100000xi32, #tpu.memory_space<vmem>>[vector<16xi32>], vector<16xi32>,
      %mul3A_231 = arith.constant 256 : i32
      %mul3A_232 = arith.muli %scan3A_90, %mul3A_231 : i32
      %add3A_233 = arith.constant 0 : i32
      %add3A_234 = arith.addi %mul3A_232, %add3A_233 : i32
      %add3A_235 = vector.broadcast %add3A_234 : i32 to vector<16xi32>
      %add3A_236 = arith.addi %iota3A, %add3A_235 : vector<16xi32>
      %eq3A_237 = arith.cmpi eq, %gather3A, %add3A_236 : vector<16xi32>
      %ne3A = arith.constant 1 : i32
      %ne3A_238 = vector.broadcast %ne3A : i32 to vector<16xi32>
      %ne3A_239 = arith.cmpi ne, %get3A_226, %ne3A_238 : vector<16xi32>
      %and3A = arith.andi %eq3A_237, %ne3A_239 : vector<16xi1>
      %jit3A = arith.constant 0.000000e+00 : f32
      %broadcast_in_dim3A_240 = vector.broadcast %jit3A : f32 to vector<16xf32>
      %select_n3A = arith.select %and3A, %get3A_230, %broadcast_in_dim3A_240 : vector<16xi1>, vector<16xf32>
      %add3A_241 = arith.addf %broadcast_in_dim3A_222, %select_n3A : vector<16xf32>
      %add3A_242 = arith.constant 16 : i32
      %add3A_243 = arith.addi %mul3A_92, %add3A_242 : i32
      %get3A_244 = arith.index_cast %add3A_243 : i32 to index
      %get3A_245 = tpu.vector_load %arg5[%get3A_244] {strides = array<i32>} : memref<6416xi32, #tpu.memory_space<vmem>>, vector<16xi32>,
      %add3A_246 = arith.constant 16 : i32
      %add3A_247 = arith.addi %mul3A_92, %add3A_246 : i32
      %get3A_248 = arith.index_cast %add3A_247 : i32 to index
      %get3A_249 = tpu.vector_load %arg6[%get3A_248] {strides = array<i32>} : memref<6416xf32, #tpu.memory_space<vmem>>, vector<16xf32>,
      %gather3A_250 = tpu.vector_load_idx %arg7[%get3A_245] : memref<100000xi32, #tpu.memory_space<vmem>>[vector<16xi32>], vector<16xi32>,
      %mul3A_251 = arith.constant 256 : i32
      %mul3A_252 = arith.muli %scan3A_90, %mul3A_251 : i32
      %add3A_253 = arith.constant 16 : i32
      %add3A_254 = arith.addi %mul3A_252, %add3A_253 : i32
      %add3A_255 = vector.broadcast %add3A_254 : i32 to vector<16xi32>
      %add3A_256 = arith.addi %iota3A, %add3A_255 : vector<16xi32>
      %eq3A_257 = arith.cmpi eq, %gather3A_250, %add3A_256 : vector<16xi32>
      %ne3A_258 = arith.constant 1 : i32
      %ne3A_259 = vector.broadcast %ne3A_258 : i32 to vector<16xi32>
      %ne3A_260 = arith.cmpi ne, %get3A_245, %ne3A_259 : vector<16xi32>
      %and3A_261 = arith.andi %eq3A_257, %ne3A_260 : vector<16xi1>
      %jit3A_262 = arith.constant 0.000000e+00 : f32
      %broadcast_in_dim3A_263 = vector.broadcast %jit3A_262 : f32 to vector<16xf32>
      %select_n3A_264 = arith.select %and3A_261, %get3A_249, %broadcast_in_dim3A_263 : vector<16xi1>, vector<16xf32>
      %add3A_265 = arith.addf %add3A_241, %select_n3A_264 : vector<16xf32>
      %add3A_266 = arith.constant 32 : i32
      %add3A_267 = arith.addi %mul3A_92, %add3A_266 : i32
      %get3A_268 = arith.index_cast %add3A_267 : i32 to index
      %get3A_269 = tpu.vector_load %arg5[%get3A_268] {strides = array<i32>} : memref<6416xi32, #tpu.memory_space<vmem>>, vector<16xi32>,
      %add3A_270 = arith.constant 32 : i32
      %add3A_271 = arith.addi %mul3A_92, %add3A_270 : i32
      %get3A_272 = arith.index_cast %add3A_271 : i32 to index
      %get3A_273 = tpu.vector_load %arg6[%get3A_272] {strides = array<i32>} : memref<6416xf32, #tpu.memory_space<vmem>>, vector<16xf32>,
      %gather3A_274 = tpu.vector_load_idx %arg7[%get3A_269] : memref<100000xi32, #tpu.memory_space<vmem>>[vector<16xi32>], vector<16xi32>,
      %mul3A_275 = arith.constant 256 : i32
      %mul3A_276 = arith.muli %scan3A_90, %mul3A_275 : i32
      %add3A_277 = arith.constant 32 : i32
      %add3A_278 = arith.addi %mul3A_276, %add3A_277 : i32
      %add3A_279 = vector.broadcast %add3A_278 : i32 to vector<16xi32>
      %add3A_280 = arith.addi %iota3A, %add3A_279 : vector<16xi32>
      %eq3A_281 = arith.cmpi eq, %gather3A_274, %add3A_280 : vector<16xi32>
      %ne3A_282 = arith.constant 1 : i32
      %ne3A_283 = vector.broadcast %ne3A_282 : i32 to vector<16xi32>
      %ne3A_284 = arith.cmpi ne, %get3A_269, %ne3A_283 : vector<16xi32>
      %and3A_285 = arith.andi %eq3A_281, %ne3A_284 : vector<16xi1>
      %jit3A_286 = arith.constant 0.000000e+00 : f32
      %broadcast_in_dim3A_287 = vector.broadcast %jit3A_286 : f32 to vector<16xf32>
      %select_n3A_288 = arith.select %and3A_285, %get3A_273, %broadcast_in_dim3A_287 : vector<16xi1>, vector<16xf32>
      %add3A_289 = arith.addf %add3A_265, %select_n3A_288 : vector<16xf32>
      %add3A_290 = arith.constant 48 : i32
      %add3A_291 = arith.addi %mul3A_92, %add3A_290 : i32
      %get3A_292 = arith.index_cast %add3A_291 : i32 to index
      %get3A_293 = tpu.vector_load %arg5[%get3A_292] {strides = array<i32>} : memref<6416xi32, #tpu.memory_space<vmem>>, vector<16xi32>,
      %add3A_294 = arith.constant 48 : i32
      %add3A_295 = arith.addi %mul3A_92, %add3A_294 : i32
      %get3A_296 = arith.index_cast %add3A_295 : i32 to index
      %get3A_297 = tpu.vector_load %arg6[%get3A_296] {strides = array<i32>} : memref<6416xf32, #tpu.memory_space<vmem>>, vector<16xf32>,
      %gather3A_298 = tpu.vector_load_idx %arg7[%get3A_293] : memref<100000xi32, #tpu.memory_space<vmem>>[vector<16xi32>], vector<16xi32>,
      %mul3A_299 = arith.constant 256 : i32
      %mul3A_300 = arith.muli %scan3A_90, %mul3A_299 : i32
      %add3A_301 = arith.constant 48 : i32
      %add3A_302 = arith.addi %mul3A_300, %add3A_301 : i32
      %add3A_303 = vector.broadcast %add3A_302 : i32 to vector<16xi32>
      %add3A_304 = arith.addi %iota3A, %add3A_303 : vector<16xi32>
      %eq3A_305 = arith.cmpi eq, %gather3A_298, %add3A_304 : vector<16xi32>
      %ne3A_306 = arith.constant 1 : i32
      %ne3A_307 = vector.broadcast %ne3A_306 : i32 to vector<16xi32>
      %ne3A_308 = arith.cmpi ne, %get3A_293, %ne3A_307 : vector<16xi32>
      %and3A_309 = arith.andi %eq3A_305, %ne3A_308 : vector<16xi1>
      %jit3A_310 = arith.constant 0.000000e+00 : f32
      %broadcast_in_dim3A_311 = vector.broadcast %jit3A_310 : f32 to vector<16xf32>
      %select_n3A_312 = arith.select %and3A_309, %get3A_297, %broadcast_in_dim3A_311 : vector<16xi1>, vector<16xf32>
      %add3A_313 = arith.addf %add3A_289, %select_n3A_312 : vector<16xf32>
      %add3A_314 = arith.constant 64 : i32
      %add3A_315 = arith.addi %mul3A_92, %add3A_314 : i32
      %get3A_316 = arith.index_cast %add3A_315 : i32 to index
      %get3A_317 = tpu.vector_load %arg5[%get3A_316] {strides = array<i32>} : memref<6416xi32, #tpu.memory_space<vmem>>, vector<16xi32>,
      %add3A_318 = arith.constant 64 : i32
      %add3A_319 = arith.addi %mul3A_92, %add3A_318 : i32
      %get3A_320 = arith.index_cast %add3A_319 : i32 to index
      %get3A_321 = tpu.vector_load %arg6[%get3A_320] {strides = array<i32>} : memref<6416xf32, #tpu.memory_space<vmem>>, vector<16xf32>,
      %gather3A_322 = tpu.vector_load_idx %arg7[%get3A_317] : memref<100000xi32, #tpu.memory_space<vmem>>[vector<16xi32>], vector<16xi32>,
      %mul3A_323 = arith.constant 256 : i32
      %mul3A_324 = arith.muli %scan3A_90, %mul3A_323 : i32
      %add3A_325 = arith.constant 64 : i32
      %add3A_326 = arith.addi %mul3A_324, %add3A_325 : i32
      %add3A_327 = vector.broadcast %add3A_326 : i32 to vector<16xi32>
      %add3A_328 = arith.addi %iota3A, %add3A_327 : vector<16xi32>
      %eq3A_329 = arith.cmpi eq, %gather3A_322, %add3A_328 : vector<16xi32>
      %ne3A_330 = arith.constant 1 : i32
      %ne3A_331 = vector.broadcast %ne3A_330 : i32 to vector<16xi32>
      %ne3A_332 = arith.cmpi ne, %get3A_317, %ne3A_331 : vector<16xi32>
      %and3A_333 = arith.andi %eq3A_329, %ne3A_332 : vector<16xi1>
      %jit3A_334 = arith.constant 0.000000e+00 : f32
      %broadcast_in_dim3A_335 = vector.broadcast %jit3A_334 : f32 to vector<16xf32>
      %select_n3A_336 = arith.select %and3A_333, %get3A_321, %broadcast_in_dim3A_335 : vector<16xi1>, vector<16xf32>
      %add3A_337 = arith.addf %add3A_313, %select_n3A_336 : vector<16xf32>
      %add3A_338 = arith.constant 80 : i32
      %add3A_339 = arith.addi %mul3A_92, %add3A_338 : i32
      %get3A_340 = arith.index_cast %add3A_339 : i32 to index
      %get3A_341 = tpu.vector_load %arg5[%get3A_340] {strides = array<i32>} : memref<6416xi32, #tpu.memory_space<vmem>>, vector<16xi32>,
      %add3A_342 = arith.constant 80 : i32
      %add3A_343 = arith.addi %mul3A_92, %add3A_342 : i32
      %get3A_344 = arith.index_cast %add3A_343 : i32 to index
      %get3A_345 = tpu.vector_load %arg6[%get3A_344] {strides = array<i32>} : memref<6416xf32, #tpu.memory_space<vmem>>, vector<16xf32>,
      %gather3A_346 = tpu.vector_load_idx %arg7[%get3A_341] : memref<100000xi32, #tpu.memory_space<vmem>>[vector<16xi32>], vector<16xi32>,
      %mul3A_347 = arith.constant 256 : i32
      %mul3A_348 = arith.muli %scan3A_90, %mul3A_347 : i32
      %add3A_349 = arith.constant 80 : i32
      %add3A_350 = arith.addi %mul3A_348, %add3A_349 : i32
      %add3A_351 = vector.broadcast %add3A_350 : i32 to vector<16xi32>
      %add3A_352 = arith.addi %iota3A, %add3A_351 : vector<16xi32>
      %eq3A_353 = arith.cmpi eq, %gather3A_346, %add3A_352 : vector<16xi32>
      %ne3A_354 = arith.constant 1 : i32
      %ne3A_355 = vector.broadcast %ne3A_354 : i32 to vector<16xi32>
      %ne3A_356 = arith.cmpi ne, %get3A_341, %ne3A_355 : vector<16xi32>
      %and3A_357 = arith.andi %eq3A_353, %ne3A_356 : vector<16xi1>
      %jit3A_358 = arith.constant 0.000000e+00 : f32
      %broadcast_in_dim3A_359 = vector.broadcast %jit3A_358 : f32 to vector<16xf32>
      %select_n3A_360 = arith.select %and3A_357, %get3A_345, %broadcast_in_dim3A_359 : vector<16xi1>, vector<16xf32>
      %add3A_361 = arith.addf %add3A_337, %select_n3A_360 : vector<16xf32>
      %add3A_362 = arith.constant 96 : i32
      %add3A_363 = arith.addi %mul3A_92, %add3A_362 : i32
      %get3A_364 = arith.index_cast %add3A_363 : i32 to index
      %get3A_365 = tpu.vector_load %arg5[%get3A_364] {strides = array<i32>} : memref<6416xi32, #tpu.memory_space<vmem>>, vector<16xi32>,
      %add3A_366 = arith.constant 96 : i32
      %add3A_367 = arith.addi %mul3A_92, %add3A_366 : i32
      %get3A_368 = arith.index_cast %add3A_367 : i32 to index
      %get3A_369 = tpu.vector_load %arg6[%get3A_368] {strides = array<i32>} : memref<6416xf32, #tpu.memory_space<vmem>>, vector<16xf32>,
      %gather3A_370 = tpu.vector_load_idx %arg7[%get3A_365] : memref<100000xi32, #tpu.memory_space<vmem>>[vector<16xi32>], vector<16xi32>,
      %mul3A_371 = arith.constant 256 : i32
      %mul3A_372 = arith.muli %scan3A_90, %mul3A_371 : i32
      %add3A_373 = arith.constant 96 : i32
      %add3A_374 = arith.addi %mul3A_372, %add3A_373 : i32
      %add3A_375 = vector.broadcast %add3A_374 : i32 to vector<16xi32>
      %add3A_376 = arith.addi %iota3A, %add3A_375 : vector<16xi32>
      %eq3A_377 = arith.cmpi eq, %gather3A_370, %add3A_376 : vector<16xi32>
      %ne3A_378 = arith.constant 1 : i32
      %ne3A_379 = vector.broadcast %ne3A_378 : i32 to vector<16xi32>
      %ne3A_380 = arith.cmpi ne, %get3A_365, %ne3A_379 : vector<16xi32>
      %and3A_381 = arith.andi %eq3A_377, %ne3A_380 : vector<16xi1>
      %jit3A_382 = arith.constant 0.000000e+00 : f32
      %broadcast_in_dim3A_383 = vector.broadcast %jit3A_382 : f32 to vector<16xf32>
      %select_n3A_384 = arith.select %and3A_381, %get3A_369, %broadcast_in_dim3A_383 : vector<16xi1>, vector<16xf32>
      %add3A_385 = arith.addf %add3A_361, %select_n3A_384 : vector<16xf32>
      %add3A_386 = arith.constant 112 : i32
      %add3A_387 = arith.addi %mul3A_92, %add3A_386 : i32
      %get3A_388 = arith.index_cast %add3A_387 : i32 to index
      %get3A_389 = tpu.vector_load %arg5[%get3A_388] {strides = array<i32>} : memref<6416xi32, #tpu.memory_space<vmem>>, vector<16xi32>,
      %add3A_390 = arith.constant 112 : i32
      %add3A_391 = arith.addi %mul3A_92, %add3A_390 : i32
      %get3A_392 = arith.index_cast %add3A_391 : i32 to index
      %get3A_393 = tpu.vector_load %arg6[%get3A_392] {strides = array<i32>} : memref<6416xf32, #tpu.memory_space<vmem>>, vector<16xf32>,
      %gather3A_394 = tpu.vector_load_idx %arg7[%get3A_389] : memref<100000xi32, #tpu.memory_space<vmem>>[vector<16xi32>], vector<16xi32>,
      %mul3A_395 = arith.constant 256 : i32
      %mul3A_396 = arith.muli %scan3A_90, %mul3A_395 : i32
      %add3A_397 = arith.constant 112 : i32
      %add3A_398 = arith.addi %mul3A_396, %add3A_397 : i32
      %add3A_399 = vector.broadcast %add3A_398 : i32 to vector<16xi32>
      %add3A_400 = arith.addi %iota3A, %add3A_399 : vector<16xi32>
      %eq3A_401 = arith.cmpi eq, %gather3A_394, %add3A_400 : vector<16xi32>
      %ne3A_402 = arith.constant 1 : i32
      %ne3A_403 = vector.broadcast %ne3A_402 : i32 to vector<16xi32>
      %ne3A_404 = arith.cmpi ne, %get3A_389, %ne3A_403 : vector<16xi32>
      %and3A_405 = arith.andi %eq3A_401, %ne3A_404 : vector<16xi1>
      %jit3A_406 = arith.constant 0.000000e+00 : f32
      %broadcast_in_dim3A_407 = vector.broadcast %jit3A_406 : f32 to vector<16xf32>
      %select_n3A_408 = arith.select %and3A_405, %get3A_393, %broadcast_in_dim3A_407 : vector<16xi1>, vector<16xf32>
      %add3A_409 = arith.addf %add3A_385, %select_n3A_408 : vector<16xf32>
      %add3A_410 = arith.constant 128 : i32
      %add3A_411 = arith.addi %mul3A_92, %add3A_410 : i32
      %get3A_412 = arith.index_cast %add3A_411 : i32 to index
      %get3A_413 = tpu.vector_load %arg5[%get3A_412] {strides = array<i32>} : memref<6416xi32, #tpu.memory_space<vmem>>, vector<16xi32>,
      %add3A_414 = arith.constant 128 : i32
      %add3A_415 = arith.addi %mul3A_92, %add3A_414 : i32
      %get3A_416 = arith.index_cast %add3A_415 : i32 to index
      %get3A_417 = tpu.vector_load %arg6[%get3A_416] {strides = array<i32>} : memref<6416xf32, #tpu.memory_space<vmem>>, vector<16xf32>,
      %gather3A_418 = tpu.vector_load_idx %arg7[%get3A_413] : memref<100000xi32, #tpu.memory_space<vmem>>[vector<16xi32>], vector<16xi32>,
      %mul3A_419 = arith.constant 256 : i32
      %mul3A_420 = arith.muli %scan3A_90, %mul3A_419 : i32
      %add3A_421 = arith.constant 128 : i32
      %add3A_422 = arith.addi %mul3A_420, %add3A_421 : i32
      %add3A_423 = vector.broadcast %add3A_422 : i32 to vector<16xi32>
      %add3A_424 = arith.addi %iota3A, %add3A_423 : vector<16xi32>
      %eq3A_425 = arith.cmpi eq, %gather3A_418, %add3A_424 : vector<16xi32>
      %ne3A_426 = arith.constant 1 : i32
      %ne3A_427 = vector.broadcast %ne3A_426 : i32 to vector<16xi32>
      %ne3A_428 = arith.cmpi ne, %get3A_413, %ne3A_427 : vector<16xi32>
      %and3A_429 = arith.andi %eq3A_425, %ne3A_428 : vector<16xi1>
      %jit3A_430 = arith.constant 0.000000e+00 : f32
      %broadcast_in_dim3A_431 = vector.broadcast %jit3A_430 : f32 to vector<16xf32>
      %select_n3A_432 = arith.select %and3A_429, %get3A_417, %broadcast_in_dim3A_431 : vector<16xi1>, vector<16xf32>
      %add3A_433 = arith.addf %add3A_409, %select_n3A_432 : vector<16xf32>
      %add3A_434 = arith.constant 144 : i32
      %add3A_435 = arith.addi %mul3A_92, %add3A_434 : i32
      %get3A_436 = arith.index_cast %add3A_435 : i32 to index
      %get3A_437 = tpu.vector_load %arg5[%get3A_436] {strides = array<i32>} : memref<6416xi32, #tpu.memory_space<vmem>>, vector<16xi32>,
      %add3A_438 = arith.constant 144 : i32
      %add3A_439 = arith.addi %mul3A_92, %add3A_438 : i32
      %get3A_440 = arith.index_cast %add3A_439 : i32 to index
      %get3A_441 = tpu.vector_load %arg6[%get3A_440] {strides = array<i32>} : memref<6416xf32, #tpu.memory_space<vmem>>, vector<16xf32>,
      %gather3A_442 = tpu.vector_load_idx %arg7[%get3A_437] : memref<100000xi32, #tpu.memory_space<vmem>>[vector<16xi32>], vector<16xi32>,
      %mul3A_443 = arith.constant 256 : i32
      %mul3A_444 = arith.muli %scan3A_90, %mul3A_443 : i32
      %add3A_445 = arith.constant 144 : i32
      %add3A_446 = arith.addi %mul3A_444, %add3A_445 : i32
      %add3A_447 = vector.broadcast %add3A_446 : i32 to vector<16xi32>
      %add3A_448 = arith.addi %iota3A, %add3A_447 : vector<16xi32>
      %eq3A_449 = arith.cmpi eq, %gather3A_442, %add3A_448 : vector<16xi32>
      %ne3A_450 = arith.constant 1 : i32
      %ne3A_451 = vector.broadcast %ne3A_450 : i32 to vector<16xi32>
      %ne3A_452 = arith.cmpi ne, %get3A_437, %ne3A_451 : vector<16xi32>
      %and3A_453 = arith.andi %eq3A_449, %ne3A_452 : vector<16xi1>
      %jit3A_454 = arith.constant 0.000000e+00 : f32
      %broadcast_in_dim3A_455 = vector.broadcast %jit3A_454 : f32 to vector<16xf32>
      %select_n3A_456 = arith.select %and3A_453, %get3A_441, %broadcast_in_dim3A_455 : vector<16xi1>, vector<16xf32>
      %add3A_457 = arith.addf %add3A_433, %select_n3A_456 : vector<16xf32>
      %add3A_458 = arith.constant 160 : i32
      %add3A_459 = arith.addi %mul3A_92, %add3A_458 : i32
      %get3A_460 = arith.index_cast %add3A_459 : i32 to index
      %get3A_461 = tpu.vector_load %arg5[%get3A_460] {strides = array<i32>} : memref<6416xi32, #tpu.memory_space<vmem>>, vector<16xi32>,
      %add3A_462 = arith.constant 160 : i32
      %add3A_463 = arith.addi %mul3A_92, %add3A_462 : i32
      %get3A_464 = arith.index_cast %add3A_463 : i32 to index
      %get3A_465 = tpu.vector_load %arg6[%get3A_464] {strides = array<i32>} : memref<6416xf32, #tpu.memory_space<vmem>>, vector<16xf32>,
      %gather3A_466 = tpu.vector_load_idx %arg7[%get3A_461] : memref<100000xi32, #tpu.memory_space<vmem>>[vector<16xi32>], vector<16xi32>,
      %mul3A_467 = arith.constant 256 : i32
      %mul3A_468 = arith.muli %scan3A_90, %mul3A_467 : i32
      %add3A_469 = arith.constant 160 : i32
      %add3A_470 = arith.addi %mul3A_468, %add3A_469 : i32
      %add3A_471 = vector.broadcast %add3A_470 : i32 to vector<16xi32>
      %add3A_472 = arith.addi %iota3A, %add3A_471 : vector<16xi32>
      %eq3A_473 = arith.cmpi eq, %gather3A_466, %add3A_472 : vector<16xi32>
      %ne3A_474 = arith.constant 1 : i32
      %ne3A_475 = vector.broadcast %ne3A_474 : i32 to vector<16xi32>
      %ne3A_476 = arith.cmpi ne, %get3A_461, %ne3A_475 : vector<16xi32>
      %and3A_477 = arith.andi %eq3A_473, %ne3A_476 : vector<16xi1>
      %jit3A_478 = arith.constant 0.000000e+00 : f32
      %broadcast_in_dim3A_479 = vector.broadcast %jit3A_478 : f32 to vector<16xf32>
      %select_n3A_480 = arith.select %and3A_477, %get3A_465, %broadcast_in_dim3A_479 : vector<16xi1>, vector<16xf32>
      %add3A_481 = arith.addf %add3A_457, %select_n3A_480 : vector<16xf32>
      %add3A_482 = arith.constant 176 : i32
      %add3A_483 = arith.addi %mul3A_92, %add3A_482 : i32
      %get3A_484 = arith.index_cast %add3A_483 : i32 to index
      %get3A_485 = tpu.vector_load %arg5[%get3A_484] {strides = array<i32>} : memref<6416xi32, #tpu.memory_space<vmem>>, vector<16xi32>,
      %add3A_486 = arith.constant 176 : i32
      %add3A_487 = arith.addi %mul3A_92, %add3A_486 : i32
      %get3A_488 = arith.index_cast %add3A_487 : i32 to index
      %get3A_489 = tpu.vector_load %arg6[%get3A_488] {strides = array<i32>} : memref<6416xf32, #tpu.memory_space<vmem>>, vector<16xf32>,
      %gather3A_490 = tpu.vector_load_idx %arg7[%get3A_485] : memref<100000xi32, #tpu.memory_space<vmem>>[vector<16xi32>], vector<16xi32>,
      %mul3A_491 = arith.constant 256 : i32
      %mul3A_492 = arith.muli %scan3A_90, %mul3A_491 : i32
      %add3A_493 = arith.constant 176 : i32
      %add3A_494 = arith.addi %mul3A_492, %add3A_493 : i32
      %add3A_495 = vector.broadcast %add3A_494 : i32 to vector<16xi32>
      %add3A_496 = arith.addi %iota3A, %add3A_495 : vector<16xi32>
      %eq3A_497 = arith.cmpi eq, %gather3A_490, %add3A_496 : vector<16xi32>
      %ne3A_498 = arith.constant 1 : i32
      %ne3A_499 = vector.broadcast %ne3A_498 : i32 to vector<16xi32>
      %ne3A_500 = arith.cmpi ne, %get3A_485, %ne3A_499 : vector<16xi32>
      %and3A_501 = arith.andi %eq3A_497, %ne3A_500 : vector<16xi1>
      %jit3A_502 = arith.constant 0.000000e+00 : f32
      %broadcast_in_dim3A_503 = vector.broadcast %jit3A_502 : f32 to vector<16xf32>
      %select_n3A_504 = arith.select %and3A_501, %get3A_489, %broadcast_in_dim3A_503 : vector<16xi1>, vector<16xf32>
      %add3A_505 = arith.addf %add3A_481, %select_n3A_504 : vector<16xf32>
      %add3A_506 = arith.constant 192 : i32
      %add3A_507 = arith.addi %mul3A_92, %add3A_506 : i32
      %get3A_508 = arith.index_cast %add3A_507 : i32 to index
      %get3A_509 = tpu.vector_load %arg5[%get3A_508] {strides = array<i32>} : memref<6416xi32, #tpu.memory_space<vmem>>, vector<16xi32>,
      %add3A_510 = arith.constant 192 : i32
      %add3A_511 = arith.addi %mul3A_92, %add3A_510 : i32
      %get3A_512 = arith.index_cast %add3A_511 : i32 to index
      %get3A_513 = tpu.vector_load %arg6[%get3A_512] {strides = array<i32>} : memref<6416xf32, #tpu.memory_space<vmem>>, vector<16xf32>,
      %gather3A_514 = tpu.vector_load_idx %arg7[%get3A_509] masked %lt3A_40 : memref<100000xi32, #tpu.memory_space<vmem>>[vector<16xi32>], vector<16xi32>, vector<16xi1>
      %mul3A_515 = arith.constant 256 : i32
      %mul3A_516 = arith.muli %scan3A_90, %mul3A_515 : i32
      %add3A_517 = arith.constant 192 : i32
      %add3A_518 = arith.addi %mul3A_516, %add3A_517 : i32
      %add3A_519 = vector.broadcast %add3A_518 : i32 to vector<16xi32>
      %add3A_520 = arith.addi %iota3A, %add3A_519 : vector<16xi32>
      %eq3A_521 = arith.cmpi eq, %gather3A_514, %add3A_520 : vector<16xi32>
      %ne3A_522 = arith.constant 1 : i32
      %ne3A_523 = vector.broadcast %ne3A_522 : i32 to vector<16xi32>
      %ne3A_524 = arith.cmpi ne, %get3A_509, %ne3A_523 : vector<16xi32>
      %and3A_525 = arith.andi %eq3A_521, %ne3A_524 : vector<16xi1>
      %and3A_526 = arith.andi %and3A_525, %lt3A_40 : vector<16xi1>
      %jit3A_527 = arith.constant 0.000000e+00 : f32
      %broadcast_in_dim3A_528 = vector.broadcast %jit3A_527 : f32 to vector<16xf32>
      %select_n3A_529 = arith.select %and3A_526, %get3A_513, %broadcast_in_dim3A_528 : vector<16xi1>, vector<16xf32>
      %add3A_530 = arith.addf %add3A_505, %select_n3A_529 : vector<16xf32>
      %reduce_sum3A = arith.constant true
      %reduce_sum3A_531 = vector.broadcast %reduce_sum3A : i1 to vector<16xi1>
      %reduce_sum3A_532 = tpu.scan <sum>, %add3A_530 masked %reduce_sum3A_531 : vector<16xf32>, vector<16xi1> -> vector<16xf32>
      %reduce_sum3A_533 = vector.extract %reduce_sum3A_532[15] : f32 from vector<16xf32>
      %broadcast_in_dim3A_534 = arith.constant 0 : i32
      %broadcast_in_dim3A_535 = vector.broadcast %broadcast_in_dim3A_534 : i32 to vector<16xi32>
      %add3A_536 = vector.broadcast %scan3A_90 : i32 to vector<16xi32>
      %add3A_537 = arith.addi %broadcast_in_dim3A_535, %add3A_536 : vector<16xi32>
      %broadcast_in_dim3A_538 = vector.broadcast %reduce_sum3A_533 : f32 to vector<16xf32>
      %eq3A_539 = arith.constant 0 : i32
      %eq3A_540 = vector.broadcast %eq3A_539 : i32 to vector<16xi32>
      %eq3A_541 = arith.cmpi eq, %iota3A, %eq3A_540 : vector<16xi32>
      tpu.vector_store_idx %arg8[%add3A_537], %broadcast_in_dim3A_538 masked %eq3A_541 : memref<32xf32, #tpu.memory_space<vmem>>[vector<16xi32>], vector<16xf32>, vector<16xi1>
    }
    %scan3A_51 = arith.constant 8 : i32
    "tpu.trace_stop"() : () -> ()
    "tpu.trace_start"() <{level = 10 : i32, message = "gather_wait"}> : () -> ()
    %dma_wait3A_52 = arith.constant 1600 : i32
    %dma_wait3A_53 = tpu.memref_slice %arg6[%dma_wait3A_52] : memref<6416xf32, #tpu.memory_space<vmem>> -> memref<1600xf32, #tpu.memory_space<vmem>>
    %dma_wait3A_54 = arith.constant 1600 : i32
    %dma_wait3A_55 = tpu.memref_slice %arg5[%dma_wait3A_54] : memref<6416xi32, #tpu.memory_space<vmem>> -> memref<1600xi32, #tpu.memory_space<vmem>>
    %dma_wait3A_56 = arith.constant 0 : i32
    %dma_wait3A_57 = tpu.memref_slice %arg9[%dma_wait3A_56] : memref<100000xf32, #tpu.memory_space<vmem_shared>> -> memref<100000xf32, #tpu.memory_space<vmem_shared>>
    tpu.wait_indirect_dma semaphore(%arg11 : memref<!tpu.dma_semaphore, #tpu.memory_space<semaphore_mem>>) src(%dma_wait3A_57 : memref<100000xf32, #tpu.memory_space<vmem_shared>>) dst(%dma_wait3A_53 : memref<1600xf32, #tpu.memory_space<vmem>>)
    "tpu.trace_stop"() : () -> ()
    "tpu.trace_start"() <{level = 10 : i32, message = "dedup_compute"}> : () -> ()
    %scan3A_58 = arith.constant 0 : i32
    %scan3A_59 = arith.constant 8 : i32
    %scan3A_60 = arith.constant 8 : i32
    %scan3A_61 = arith.addi %scan3A_59, %scan3A_60 : i32
    %scan3A_62 = arith.constant 1 : i32
    scf.for %scan3A_90 = %scan3A_59 to %scan3A_61 step %scan3A_62  : i32 {
      %mul3A_91 = arith.constant 200 : i32
      %mul3A_92 = arith.muli %scan3A_90, %mul3A_91 : i32
      %add3A_93 = arith.constant 0 : i32
      %add3A_94 = arith.addi %mul3A_92, %add3A_93 : i32
      %get3A = arith.index_cast %add3A_94 : i32 to index
      %get3A_95 = tpu.vector_load %arg5[%get3A] {strides = array<i32>} : memref<6416xi32, #tpu.memory_space<vmem>>, vector<16xi32>,
      %mul3A_96 = arith.constant 256 : i32
      %mul3A_97 = arith.muli %scan3A_90, %mul3A_96 : i32
      %add3A_98 = arith.constant 0 : i32
      %add3A_99 = arith.addi %mul3A_97, %add3A_98 : i32
      %add3A_100 = vector.broadcast %add3A_99 : i32 to vector<16xi32>
      %add3A_101 = arith.addi %iota3A, %add3A_100 : vector<16xi32>
      tpu.vector_store_idx %arg7[%get3A_95], %add3A_101 : memref<100000xi32, #tpu.memory_space<vmem>>[vector<16xi32>], vector<16xi32>,
      %add3A_102 = arith.constant 16 : i32
      %add3A_103 = arith.addi %mul3A_92, %add3A_102 : i32
      %get3A_104 = arith.index_cast %add3A_103 : i32 to index
      %get3A_105 = tpu.vector_load %arg5[%get3A_104] {strides = array<i32>} : memref<6416xi32, #tpu.memory_space<vmem>>, vector<16xi32>,
      %mul3A_106 = arith.constant 256 : i32
      %mul3A_107 = arith.muli %scan3A_90, %mul3A_106 : i32
      %add3A_108 = arith.constant 16 : i32
      %add3A_109 = arith.addi %mul3A_107, %add3A_108 : i32
      %add3A_110 = vector.broadcast %add3A_109 : i32 to vector<16xi32>
      %add3A_111 = arith.addi %iota3A, %add3A_110 : vector<16xi32>
      tpu.vector_store_idx %arg7[%get3A_105], %add3A_111 : memref<100000xi32, #tpu.memory_space<vmem>>[vector<16xi32>], vector<16xi32>,
      %add3A_112 = arith.constant 32 : i32
      %add3A_113 = arith.addi %mul3A_92, %add3A_112 : i32
      %get3A_114 = arith.index_cast %add3A_113 : i32 to index
      %get3A_115 = tpu.vector_load %arg5[%get3A_114] {strides = array<i32>} : memref<6416xi32, #tpu.memory_space<vmem>>, vector<16xi32>,
      %mul3A_116 = arith.constant 256 : i32
      %mul3A_117 = arith.muli %scan3A_90, %mul3A_116 : i32
      %add3A_118 = arith.constant 32 : i32
      %add3A_119 = arith.addi %mul3A_117, %add3A_118 : i32
      %add3A_120 = vector.broadcast %add3A_119 : i32 to vector<16xi32>
      %add3A_121 = arith.addi %iota3A, %add3A_120 : vector<16xi32>
      tpu.vector_store_idx %arg7[%get3A_115], %add3A_121 : memref<100000xi32, #tpu.memory_space<vmem>>[vector<16xi32>], vector<16xi32>,
      %add3A_122 = arith.constant 48 : i32
      %add3A_123 = arith.addi %mul3A_92, %add3A_122 : i32
      %get3A_124 = arith.index_cast %add3A_123 : i32 to index
      %get3A_125 = tpu.vector_load %arg5[%get3A_124] {strides = array<i32>} : memref<6416xi32, #tpu.memory_space<vmem>>, vector<16xi32>,
      %mul3A_126 = arith.constant 256 : i32
      %mul3A_127 = arith.muli %scan3A_90, %mul3A_126 : i32
      %add3A_128 = arith.constant 48 : i32
      %add3A_129 = arith.addi %mul3A_127, %add3A_128 : i32
      %add3A_130 = vector.broadcast %add3A_129 : i32 to vector<16xi32>
      %add3A_131 = arith.addi %iota3A, %add3A_130 : vector<16xi32>
      tpu.vector_store_idx %arg7[%get3A_125], %add3A_131 : memref<100000xi32, #tpu.memory_space<vmem>>[vector<16xi32>], vector<16xi32>,
      %add3A_132 = arith.constant 64 : i32
      %add3A_133 = arith.addi %mul3A_92, %add3A_132 : i32
      %get3A_134 = arith.index_cast %add3A_133 : i32 to index
      %get3A_135 = tpu.vector_load %arg5[%get3A_134] {strides = array<i32>} : memref<6416xi32, #tpu.memory_space<vmem>>, vector<16xi32>,
      %mul3A_136 = arith.constant 256 : i32
      %mul3A_137 = arith.muli %scan3A_90, %mul3A_136 : i32
      %add3A_138 = arith.constant 64 : i32
      %add3A_139 = arith.addi %mul3A_137, %add3A_138 : i32
      %add3A_140 = vector.broadcast %add3A_139 : i32 to vector<16xi32>
      %add3A_141 = arith.addi %iota3A, %add3A_140 : vector<16xi32>
      tpu.vector_store_idx %arg7[%get3A_135], %add3A_141 : memref<100000xi32, #tpu.memory_space<vmem>>[vector<16xi32>], vector<16xi32>,
      %add3A_142 = arith.constant 80 : i32
      %add3A_143 = arith.addi %mul3A_92, %add3A_142 : i32
      %get3A_144 = arith.index_cast %add3A_143 : i32 to index
      %get3A_145 = tpu.vector_load %arg5[%get3A_144] {strides = array<i32>} : memref<6416xi32, #tpu.memory_space<vmem>>, vector<16xi32>,
      %mul3A_146 = arith.constant 256 : i32
      %mul3A_147 = arith.muli %scan3A_90, %mul3A_146 : i32
      %add3A_148 = arith.constant 80 : i32
      %add3A_149 = arith.addi %mul3A_147, %add3A_148 : i32
      %add3A_150 = vector.broadcast %add3A_149 : i32 to vector<16xi32>
      %add3A_151 = arith.addi %iota3A, %add3A_150 : vector<16xi32>
      tpu.vector_store_idx %arg7[%get3A_145], %add3A_151 : memref<100000xi32, #tpu.memory_space<vmem>>[vector<16xi32>], vector<16xi32>,
      %add3A_152 = arith.constant 96 : i32
      %add3A_153 = arith.addi %mul3A_92, %add3A_152 : i32
      %get3A_154 = arith.index_cast %add3A_153 : i32 to index
      %get3A_155 = tpu.vector_load %arg5[%get3A_154] {strides = array<i32>} : memref<6416xi32, #tpu.memory_space<vmem>>, vector<16xi32>,
      %mul3A_156 = arith.constant 256 : i32
      %mul3A_157 = arith.muli %scan3A_90, %mul3A_156 : i32
      %add3A_158 = arith.constant 96 : i32
      %add3A_159 = arith.addi %mul3A_157, %add3A_158 : i32
      %add3A_160 = vector.broadcast %add3A_159 : i32 to vector<16xi32>
      %add3A_161 = arith.addi %iota3A, %add3A_160 : vector<16xi32>
      tpu.vector_store_idx %arg7[%get3A_155], %add3A_161 : memref<100000xi32, #tpu.memory_space<vmem>>[vector<16xi32>], vector<16xi32>,
      %add3A_162 = arith.constant 112 : i32
      %add3A_163 = arith.addi %mul3A_92, %add3A_162 : i32
      %get3A_164 = arith.index_cast %add3A_163 : i32 to index
      %get3A_165 = tpu.vector_load %arg5[%get3A_164] {strides = array<i32>} : memref<6416xi32, #tpu.memory_space<vmem>>, vector<16xi32>,
      %mul3A_166 = arith.constant 256 : i32
      %mul3A_167 = arith.muli %scan3A_90, %mul3A_166 : i32
      %add3A_168 = arith.constant 112 : i32
      %add3A_169 = arith.addi %mul3A_167, %add3A_168 : i32
      %add3A_170 = vector.broadcast %add3A_169 : i32 to vector<16xi32>
      %add3A_171 = arith.addi %iota3A, %add3A_170 : vector<16xi32>
      tpu.vector_store_idx %arg7[%get3A_165], %add3A_171 : memref<100000xi32, #tpu.memory_space<vmem>>[vector<16xi32>], vector<16xi32>,
      %add3A_172 = arith.constant 128 : i32
      %add3A_173 = arith.addi %mul3A_92, %add3A_172 : i32
      %get3A_174 = arith.index_cast %add3A_173 : i32 to index
      %get3A_175 = tpu.vector_load %arg5[%get3A_174] {strides = array<i32>} : memref<6416xi32, #tpu.memory_space<vmem>>, vector<16xi32>,
      %mul3A_176 = arith.constant 256 : i32
      %mul3A_177 = arith.muli %scan3A_90, %mul3A_176 : i32
      %add3A_178 = arith.constant 128 : i32
      %add3A_179 = arith.addi %mul3A_177, %add3A_178 : i32
      %add3A_180 = vector.broadcast %add3A_179 : i32 to vector<16xi32>
      %add3A_181 = arith.addi %iota3A, %add3A_180 : vector<16xi32>
      tpu.vector_store_idx %arg7[%get3A_175], %add3A_181 : memref<100000xi32, #tpu.memory_space<vmem>>[vector<16xi32>], vector<16xi32>,
      %add3A_182 = arith.constant 144 : i32
      %add3A_183 = arith.addi %mul3A_92, %add3A_182 : i32
      %get3A_184 = arith.index_cast %add3A_183 : i32 to index
      %get3A_185 = tpu.vector_load %arg5[%get3A_184] {strides = array<i32>} : memref<6416xi32, #tpu.memory_space<vmem>>, vector<16xi32>,
      %mul3A_186 = arith.constant 256 : i32
      %mul3A_187 = arith.muli %scan3A_90, %mul3A_186 : i32
      %add3A_188 = arith.constant 144 : i32
      %add3A_189 = arith.addi %mul3A_187, %add3A_188 : i32
      %add3A_190 = vector.broadcast %add3A_189 : i32 to vector<16xi32>
      %add3A_191 = arith.addi %iota3A, %add3A_190 : vector<16xi32>
      tpu.vector_store_idx %arg7[%get3A_185], %add3A_191 : memref<100000xi32, #tpu.memory_space<vmem>>[vector<16xi32>], vector<16xi32>,
      %add3A_192 = arith.constant 160 : i32
      %add3A_193 = arith.addi %mul3A_92, %add3A_192 : i32
      %get3A_194 = arith.index_cast %add3A_193 : i32 to index
      %get3A_195 = tpu.vector_load %arg5[%get3A_194] {strides = array<i32>} : memref<6416xi32, #tpu.memory_space<vmem>>, vector<16xi32>,
      %mul3A_196 = arith.constant 256 : i32
      %mul3A_197 = arith.muli %scan3A_90, %mul3A_196 : i32
      %add3A_198 = arith.constant 160 : i32
      %add3A_199 = arith.addi %mul3A_197, %add3A_198 : i32
      %add3A_200 = vector.broadcast %add3A_199 : i32 to vector<16xi32>
      %add3A_201 = arith.addi %iota3A, %add3A_200 : vector<16xi32>
      tpu.vector_store_idx %arg7[%get3A_195], %add3A_201 : memref<100000xi32, #tpu.memory_space<vmem>>[vector<16xi32>], vector<16xi32>,
      %add3A_202 = arith.constant 176 : i32
      %add3A_203 = arith.addi %mul3A_92, %add3A_202 : i32
      %get3A_204 = arith.index_cast %add3A_203 : i32 to index
      %get3A_205 = tpu.vector_load %arg5[%get3A_204] {strides = array<i32>} : memref<6416xi32, #tpu.memory_space<vmem>>, vector<16xi32>,
      %mul3A_206 = arith.constant 256 : i32
      %mul3A_207 = arith.muli %scan3A_90, %mul3A_206 : i32
      %add3A_208 = arith.constant 176 : i32
      %add3A_209 = arith.addi %mul3A_207, %add3A_208 : i32
      %add3A_210 = vector.broadcast %add3A_209 : i32 to vector<16xi32>
      %add3A_211 = arith.addi %iota3A, %add3A_210 : vector<16xi32>
      tpu.vector_store_idx %arg7[%get3A_205], %add3A_211 : memref<100000xi32, #tpu.memory_space<vmem>>[vector<16xi32>], vector<16xi32>,
      %add3A_212 = arith.constant 192 : i32
      %add3A_213 = arith.addi %mul3A_92, %add3A_212 : i32
      %get3A_214 = arith.index_cast %add3A_213 : i32 to index
      %get3A_215 = tpu.vector_load %arg5[%get3A_214] {strides = array<i32>} : memref<6416xi32, #tpu.memory_space<vmem>>, vector<16xi32>,
      %mul3A_216 = arith.constant 256 : i32
      %mul3A_217 = arith.muli %scan3A_90, %mul3A_216 : i32
      %add3A_218 = arith.constant 192 : i32
      %add3A_219 = arith.addi %mul3A_217, %add3A_218 : i32
      %add3A_220 = vector.broadcast %add3A_219 : i32 to vector<16xi32>
      %add3A_221 = arith.addi %iota3A, %add3A_220 : vector<16xi32>
      tpu.vector_store_idx %arg7[%get3A_215], %add3A_221 masked %lt3A_40 : memref<100000xi32, #tpu.memory_space<vmem>>[vector<16xi32>], vector<16xi32>, vector<16xi1>
      %broadcast_in_dim3A = arith.constant 0.000000e+00 : f32
      %broadcast_in_dim3A_222 = vector.broadcast %broadcast_in_dim3A : f32 to vector<16xf32>
      %add3A_223 = arith.constant 0 : i32
      %add3A_224 = arith.addi %mul3A_92, %add3A_223 : i32
      %get3A_225 = arith.index_cast %add3A_224 : i32 to index
      %get3A_226 = tpu.vector_load %arg5[%get3A_225] {strides = array<i32>} : memref<6416xi32, #tpu.memory_space<vmem>>, vector<16xi32>,
      %add3A_227 = arith.constant 0 : i32
      %add3A_228 = arith.addi %mul3A_92, %add3A_227 : i32
      %get3A_229 = arith.index_cast %add3A_228 : i32 to index
      %get3A_230 = tpu.vector_load %arg6[%get3A_229] {strides = array<i32>} : memref<6416xf32, #tpu.memory_space<vmem>>, vector<16xf32>,
      %gather3A = tpu.vector_load_idx %arg7[%get3A_226] : memref<100000xi32, #tpu.memory_space<vmem>>[vector<16xi32>], vector<16xi32>,
      %mul3A_231 = arith.constant 256 : i32
      %mul3A_232 = arith.muli %scan3A_90, %mul3A_231 : i32
      %add3A_233 = arith.constant 0 : i32
      %add3A_234 = arith.addi %mul3A_232, %add3A_233 : i32
      %add3A_235 = vector.broadcast %add3A_234 : i32 to vector<16xi32>
      %add3A_236 = arith.addi %iota3A, %add3A_235 : vector<16xi32>
      %eq3A_237 = arith.cmpi eq, %gather3A, %add3A_236 : vector<16xi32>
      %ne3A = arith.constant 1 : i32
      %ne3A_238 = vector.broadcast %ne3A : i32 to vector<16xi32>
      %ne3A_239 = arith.cmpi ne, %get3A_226, %ne3A_238 : vector<16xi32>
      %and3A = arith.andi %eq3A_237, %ne3A_239 : vector<16xi1>
      %jit3A = arith.constant 0.000000e+00 : f32
      %broadcast_in_dim3A_240 = vector.broadcast %jit3A : f32 to vector<16xf32>
      %select_n3A = arith.select %and3A, %get3A_230, %broadcast_in_dim3A_240 : vector<16xi1>, vector<16xf32>
      %add3A_241 = arith.addf %broadcast_in_dim3A_222, %select_n3A : vector<16xf32>
      %add3A_242 = arith.constant 16 : i32
      %add3A_243 = arith.addi %mul3A_92, %add3A_242 : i32
      %get3A_244 = arith.index_cast %add3A_243 : i32 to index
      %get3A_245 = tpu.vector_load %arg5[%get3A_244] {strides = array<i32>} : memref<6416xi32, #tpu.memory_space<vmem>>, vector<16xi32>,
      %add3A_246 = arith.constant 16 : i32
      %add3A_247 = arith.addi %mul3A_92, %add3A_246 : i32
      %get3A_248 = arith.index_cast %add3A_247 : i32 to index
      %get3A_249 = tpu.vector_load %arg6[%get3A_248] {strides = array<i32>} : memref<6416xf32, #tpu.memory_space<vmem>>, vector<16xf32>,
      %gather3A_250 = tpu.vector_load_idx %arg7[%get3A_245] : memref<100000xi32, #tpu.memory_space<vmem>>[vector<16xi32>], vector<16xi32>,
      %mul3A_251 = arith.constant 256 : i32
      %mul3A_252 = arith.muli %scan3A_90, %mul3A_251 : i32
      %add3A_253 = arith.constant 16 : i32
      %add3A_254 = arith.addi %mul3A_252, %add3A_253 : i32
      %add3A_255 = vector.broadcast %add3A_254 : i32 to vector<16xi32>
      %add3A_256 = arith.addi %iota3A, %add3A_255 : vector<16xi32>
      %eq3A_257 = arith.cmpi eq, %gather3A_250, %add3A_256 : vector<16xi32>
      %ne3A_258 = arith.constant 1 : i32
      %ne3A_259 = vector.broadcast %ne3A_258 : i32 to vector<16xi32>
      %ne3A_260 = arith.cmpi ne, %get3A_245, %ne3A_259 : vector<16xi32>
      %and3A_261 = arith.andi %eq3A_257, %ne3A_260 : vector<16xi1>
      %jit3A_262 = arith.constant 0.000000e+00 : f32
      %broadcast_in_dim3A_263 = vector.broadcast %jit3A_262 : f32 to vector<16xf32>
      %select_n3A_264 = arith.select %and3A_261, %get3A_249, %broadcast_in_dim3A_263 : vector<16xi1>, vector<16xf32>
      %add3A_265 = arith.addf %add3A_241, %select_n3A_264 : vector<16xf32>
      %add3A_266 = arith.constant 32 : i32
      %add3A_267 = arith.addi %mul3A_92, %add3A_266 : i32
      %get3A_268 = arith.index_cast %add3A_267 : i32 to index
      %get3A_269 = tpu.vector_load %arg5[%get3A_268] {strides = array<i32>} : memref<6416xi32, #tpu.memory_space<vmem>>, vector<16xi32>,
      %add3A_270 = arith.constant 32 : i32
      %add3A_271 = arith.addi %mul3A_92, %add3A_270 : i32
      %get3A_272 = arith.index_cast %add3A_271 : i32 to index
      %get3A_273 = tpu.vector_load %arg6[%get3A_272] {strides = array<i32>} : memref<6416xf32, #tpu.memory_space<vmem>>, vector<16xf32>,
      %gather3A_274 = tpu.vector_load_idx %arg7[%get3A_269] : memref<100000xi32, #tpu.memory_space<vmem>>[vector<16xi32>], vector<16xi32>,
      %mul3A_275 = arith.constant 256 : i32
      %mul3A_276 = arith.muli %scan3A_90, %mul3A_275 : i32
      %add3A_277 = arith.constant 32 : i32
      %add3A_278 = arith.addi %mul3A_276, %add3A_277 : i32
      %add3A_279 = vector.broadcast %add3A_278 : i32 to vector<16xi32>
      %add3A_280 = arith.addi %iota3A, %add3A_279 : vector<16xi32>
      %eq3A_281 = arith.cmpi eq, %gather3A_274, %add3A_280 : vector<16xi32>
      %ne3A_282 = arith.constant 1 : i32
      %ne3A_283 = vector.broadcast %ne3A_282 : i32 to vector<16xi32>
      %ne3A_284 = arith.cmpi ne, %get3A_269, %ne3A_283 : vector<16xi32>
      %and3A_285 = arith.andi %eq3A_281, %ne3A_284 : vector<16xi1>
      %jit3A_286 = arith.constant 0.000000e+00 : f32
      %broadcast_in_dim3A_287 = vector.broadcast %jit3A_286 : f32 to vector<16xf32>
      %select_n3A_288 = arith.select %and3A_285, %get3A_273, %broadcast_in_dim3A_287 : vector<16xi1>, vector<16xf32>
      %add3A_289 = arith.addf %add3A_265, %select_n3A_288 : vector<16xf32>
      %add3A_290 = arith.constant 48 : i32
      %add3A_291 = arith.addi %mul3A_92, %add3A_290 : i32
      %get3A_292 = arith.index_cast %add3A_291 : i32 to index
      %get3A_293 = tpu.vector_load %arg5[%get3A_292] {strides = array<i32>} : memref<6416xi32, #tpu.memory_space<vmem>>, vector<16xi32>,
      %add3A_294 = arith.constant 48 : i32
      %add3A_295 = arith.addi %mul3A_92, %add3A_294 : i32
      %get3A_296 = arith.index_cast %add3A_295 : i32 to index
      %get3A_297 = tpu.vector_load %arg6[%get3A_296] {strides = array<i32>} : memref<6416xf32, #tpu.memory_space<vmem>>, vector<16xf32>,
      %gather3A_298 = tpu.vector_load_idx %arg7[%get3A_293] : memref<100000xi32, #tpu.memory_space<vmem>>[vector<16xi32>], vector<16xi32>,
      %mul3A_299 = arith.constant 256 : i32
      %mul3A_300 = arith.muli %scan3A_90, %mul3A_299 : i32
      %add3A_301 = arith.constant 48 : i32
      %add3A_302 = arith.addi %mul3A_300, %add3A_301 : i32
      %add3A_303 = vector.broadcast %add3A_302 : i32 to vector<16xi32>
      %add3A_304 = arith.addi %iota3A, %add3A_303 : vector<16xi32>
      %eq3A_305 = arith.cmpi eq, %gather3A_298, %add3A_304 : vector<16xi32>
      %ne3A_306 = arith.constant 1 : i32
      %ne3A_307 = vector.broadcast %ne3A_306 : i32 to vector<16xi32>
      %ne3A_308 = arith.cmpi ne, %get3A_293, %ne3A_307 : vector<16xi32>
      %and3A_309 = arith.andi %eq3A_305, %ne3A_308 : vector<16xi1>
      %jit3A_310 = arith.constant 0.000000e+00 : f32
      %broadcast_in_dim3A_311 = vector.broadcast %jit3A_310 : f32 to vector<16xf32>
      %select_n3A_312 = arith.select %and3A_309, %get3A_297, %broadcast_in_dim3A_311 : vector<16xi1>, vector<16xf32>
      %add3A_313 = arith.addf %add3A_289, %select_n3A_312 : vector<16xf32>
      %add3A_314 = arith.constant 64 : i32
      %add3A_315 = arith.addi %mul3A_92, %add3A_314 : i32
      %get3A_316 = arith.index_cast %add3A_315 : i32 to index
      %get3A_317 = tpu.vector_load %arg5[%get3A_316] {strides = array<i32>} : memref<6416xi32, #tpu.memory_space<vmem>>, vector<16xi32>,
      %add3A_318 = arith.constant 64 : i32
      %add3A_319 = arith.addi %mul3A_92, %add3A_318 : i32
      %get3A_320 = arith.index_cast %add3A_319 : i32 to index
      %get3A_321 = tpu.vector_load %arg6[%get3A_320] {strides = array<i32>} : memref<6416xf32, #tpu.memory_space<vmem>>, vector<16xf32>,
      %gather3A_322 = tpu.vector_load_idx %arg7[%get3A_317] : memref<100000xi32, #tpu.memory_space<vmem>>[vector<16xi32>], vector<16xi32>,
      %mul3A_323 = arith.constant 256 : i32
      %mul3A_324 = arith.muli %scan3A_90, %mul3A_323 : i32
      %add3A_325 = arith.constant 64 : i32
      %add3A_326 = arith.addi %mul3A_324, %add3A_325 : i32
      %add3A_327 = vector.broadcast %add3A_326 : i32 to vector<16xi32>
      %add3A_328 = arith.addi %iota3A, %add3A_327 : vector<16xi32>
      %eq3A_329 = arith.cmpi eq, %gather3A_322, %add3A_328 : vector<16xi32>
      %ne3A_330 = arith.constant 1 : i32
      %ne3A_331 = vector.broadcast %ne3A_330 : i32 to vector<16xi32>
      %ne3A_332 = arith.cmpi ne, %get3A_317, %ne3A_331 : vector<16xi32>
      %and3A_333 = arith.andi %eq3A_329, %ne3A_332 : vector<16xi1>
      %jit3A_334 = arith.constant 0.000000e+00 : f32
      %broadcast_in_dim3A_335 = vector.broadcast %jit3A_334 : f32 to vector<16xf32>
      %select_n3A_336 = arith.select %and3A_333, %get3A_321, %broadcast_in_dim3A_335 : vector<16xi1>, vector<16xf32>
      %add3A_337 = arith.addf %add3A_313, %select_n3A_336 : vector<16xf32>
      %add3A_338 = arith.constant 80 : i32
      %add3A_339 = arith.addi %mul3A_92, %add3A_338 : i32
      %get3A_340 = arith.index_cast %add3A_339 : i32 to index
      %get3A_341 = tpu.vector_load %arg5[%get3A_340] {strides = array<i32>} : memref<6416xi32, #tpu.memory_space<vmem>>, vector<16xi32>,
      %add3A_342 = arith.constant 80 : i32
      %add3A_343 = arith.addi %mul3A_92, %add3A_342 : i32
      %get3A_344 = arith.index_cast %add3A_343 : i32 to index
      %get3A_345 = tpu.vector_load %arg6[%get3A_344] {strides = array<i32>} : memref<6416xf32, #tpu.memory_space<vmem>>, vector<16xf32>,
      %gather3A_346 = tpu.vector_load_idx %arg7[%get3A_341] : memref<100000xi32, #tpu.memory_space<vmem>>[vector<16xi32>], vector<16xi32>,
      %mul3A_347 = arith.constant 256 : i32
      %mul3A_348 = arith.muli %scan3A_90, %mul3A_347 : i32
      %add3A_349 = arith.constant 80 : i32
      %add3A_350 = arith.addi %mul3A_348, %add3A_349 : i32
      %add3A_351 = vector.broadcast %add3A_350 : i32 to vector<16xi32>
      %add3A_352 = arith.addi %iota3A, %add3A_351 : vector<16xi32>
      %eq3A_353 = arith.cmpi eq, %gather3A_346, %add3A_352 : vector<16xi32>
      %ne3A_354 = arith.constant 1 : i32
      %ne3A_355 = vector.broadcast %ne3A_354 : i32 to vector<16xi32>
      %ne3A_356 = arith.cmpi ne, %get3A_341, %ne3A_355 : vector<16xi32>
      %and3A_357 = arith.andi %eq3A_353, %ne3A_356 : vector<16xi1>
      %jit3A_358 = arith.constant 0.000000e+00 : f32
      %broadcast_in_dim3A_359 = vector.broadcast %jit3A_358 : f32 to vector<16xf32>
      %select_n3A_360 = arith.select %and3A_357, %get3A_345, %broadcast_in_dim3A_359 : vector<16xi1>, vector<16xf32>
      %add3A_361 = arith.addf %add3A_337, %select_n3A_360 : vector<16xf32>
      %add3A_362 = arith.constant 96 : i32
      %add3A_363 = arith.addi %mul3A_92, %add3A_362 : i32
      %get3A_364 = arith.index_cast %add3A_363 : i32 to index
      %get3A_365 = tpu.vector_load %arg5[%get3A_364] {strides = array<i32>} : memref<6416xi32, #tpu.memory_space<vmem>>, vector<16xi32>,
      %add3A_366 = arith.constant 96 : i32
      %add3A_367 = arith.addi %mul3A_92, %add3A_366 : i32
      %get3A_368 = arith.index_cast %add3A_367 : i32 to index
      %get3A_369 = tpu.vector_load %arg6[%get3A_368] {strides = array<i32>} : memref<6416xf32, #tpu.memory_space<vmem>>, vector<16xf32>,
      %gather3A_370 = tpu.vector_load_idx %arg7[%get3A_365] : memref<100000xi32, #tpu.memory_space<vmem>>[vector<16xi32>], vector<16xi32>,
      %mul3A_371 = arith.constant 256 : i32
      %mul3A_372 = arith.muli %scan3A_90, %mul3A_371 : i32
      %add3A_373 = arith.constant 96 : i32
      %add3A_374 = arith.addi %mul3A_372, %add3A_373 : i32
      %add3A_375 = vector.broadcast %add3A_374 : i32 to vector<16xi32>
      %add3A_376 = arith.addi %iota3A, %add3A_375 : vector<16xi32>
      %eq3A_377 = arith.cmpi eq, %gather3A_370, %add3A_376 : vector<16xi32>
      %ne3A_378 = arith.constant 1 : i32
      %ne3A_379 = vector.broadcast %ne3A_378 : i32 to vector<16xi32>
      %ne3A_380 = arith.cmpi ne, %get3A_365, %ne3A_379 : vector<16xi32>
      %and3A_381 = arith.andi %eq3A_377, %ne3A_380 : vector<16xi1>
      %jit3A_382 = arith.constant 0.000000e+00 : f32
      %broadcast_in_dim3A_383 = vector.broadcast %jit3A_382 : f32 to vector<16xf32>
      %select_n3A_384 = arith.select %and3A_381, %get3A_369, %broadcast_in_dim3A_383 : vector<16xi1>, vector<16xf32>
      %add3A_385 = arith.addf %add3A_361, %select_n3A_384 : vector<16xf32>
      %add3A_386 = arith.constant 112 : i32
      %add3A_387 = arith.addi %mul3A_92, %add3A_386 : i32
      %get3A_388 = arith.index_cast %add3A_387 : i32 to index
      %get3A_389 = tpu.vector_load %arg5[%get3A_388] {strides = array<i32>} : memref<6416xi32, #tpu.memory_space<vmem>>, vector<16xi32>,
      %add3A_390 = arith.constant 112 : i32
      %add3A_391 = arith.addi %mul3A_92, %add3A_390 : i32
      %get3A_392 = arith.index_cast %add3A_391 : i32 to index
      %get3A_393 = tpu.vector_load %arg6[%get3A_392] {strides = array<i32>} : memref<6416xf32, #tpu.memory_space<vmem>>, vector<16xf32>,
      %gather3A_394 = tpu.vector_load_idx %arg7[%get3A_389] : memref<100000xi32, #tpu.memory_space<vmem>>[vector<16xi32>], vector<16xi32>,
      %mul3A_395 = arith.constant 256 : i32
      %mul3A_396 = arith.muli %scan3A_90, %mul3A_395 : i32
      %add3A_397 = arith.constant 112 : i32
      %add3A_398 = arith.addi %mul3A_396, %add3A_397 : i32
      %add3A_399 = vector.broadcast %add3A_398 : i32 to vector<16xi32>
      %add3A_400 = arith.addi %iota3A, %add3A_399 : vector<16xi32>
      %eq3A_401 = arith.cmpi eq, %gather3A_394, %add3A_400 : vector<16xi32>
      %ne3A_402 = arith.constant 1 : i32
      %ne3A_403 = vector.broadcast %ne3A_402 : i32 to vector<16xi32>
      %ne3A_404 = arith.cmpi ne, %get3A_389, %ne3A_403 : vector<16xi32>
      %and3A_405 = arith.andi %eq3A_401, %ne3A_404 : vector<16xi1>
      %jit3A_406 = arith.constant 0.000000e+00 : f32
      %broadcast_in_dim3A_407 = vector.broadcast %jit3A_406 : f32 to vector<16xf32>
      %select_n3A_408 = arith.select %and3A_405, %get3A_393, %broadcast_in_dim3A_407 : vector<16xi1>, vector<16xf32>
      %add3A_409 = arith.addf %add3A_385, %select_n3A_408 : vector<16xf32>
      %add3A_410 = arith.constant 128 : i32
      %add3A_411 = arith.addi %mul3A_92, %add3A_410 : i32
      %get3A_412 = arith.index_cast %add3A_411 : i32 to index
      %get3A_413 = tpu.vector_load %arg5[%get3A_412] {strides = array<i32>} : memref<6416xi32, #tpu.memory_space<vmem>>, vector<16xi32>,
      %add3A_414 = arith.constant 128 : i32
      %add3A_415 = arith.addi %mul3A_92, %add3A_414 : i32
      %get3A_416 = arith.index_cast %add3A_415 : i32 to index
      %get3A_417 = tpu.vector_load %arg6[%get3A_416] {strides = array<i32>} : memref<6416xf32, #tpu.memory_space<vmem>>, vector<16xf32>,
      %gather3A_418 = tpu.vector_load_idx %arg7[%get3A_413] : memref<100000xi32, #tpu.memory_space<vmem>>[vector<16xi32>], vector<16xi32>,
      %mul3A_419 = arith.constant 256 : i32
      %mul3A_420 = arith.muli %scan3A_90, %mul3A_419 : i32
      %add3A_421 = arith.constant 128 : i32
      %add3A_422 = arith.addi %mul3A_420, %add3A_421 : i32
      %add3A_423 = vector.broadcast %add3A_422 : i32 to vector<16xi32>
      %add3A_424 = arith.addi %iota3A, %add3A_423 : vector<16xi32>
      %eq3A_425 = arith.cmpi eq, %gather3A_418, %add3A_424 : vector<16xi32>
      %ne3A_426 = arith.constant 1 : i32
      %ne3A_427 = vector.broadcast %ne3A_426 : i32 to vector<16xi32>
      %ne3A_428 = arith.cmpi ne, %get3A_413, %ne3A_427 : vector<16xi32>
      %and3A_429 = arith.andi %eq3A_425, %ne3A_428 : vector<16xi1>
      %jit3A_430 = arith.constant 0.000000e+00 : f32
      %broadcast_in_dim3A_431 = vector.broadcast %jit3A_430 : f32 to vector<16xf32>
      %select_n3A_432 = arith.select %and3A_429, %get3A_417, %broadcast_in_dim3A_431 : vector<16xi1>, vector<16xf32>
      %add3A_433 = arith.addf %add3A_409, %select_n3A_432 : vector<16xf32>
      %add3A_434 = arith.constant 144 : i32
      %add3A_435 = arith.addi %mul3A_92, %add3A_434 : i32
      %get3A_436 = arith.index_cast %add3A_435 : i32 to index
      %get3A_437 = tpu.vector_load %arg5[%get3A_436] {strides = array<i32>} : memref<6416xi32, #tpu.memory_space<vmem>>, vector<16xi32>,
      %add3A_438 = arith.constant 144 : i32
      %add3A_439 = arith.addi %mul3A_92, %add3A_438 : i32
      %get3A_440 = arith.index_cast %add3A_439 : i32 to index
      %get3A_441 = tpu.vector_load %arg6[%get3A_440] {strides = array<i32>} : memref<6416xf32, #tpu.memory_space<vmem>>, vector<16xf32>,
      %gather3A_442 = tpu.vector_load_idx %arg7[%get3A_437] : memref<100000xi32, #tpu.memory_space<vmem>>[vector<16xi32>], vector<16xi32>,
      %mul3A_443 = arith.constant 256 : i32
      %mul3A_444 = arith.muli %scan3A_90, %mul3A_443 : i32
      %add3A_445 = arith.constant 144 : i32
      %add3A_446 = arith.addi %mul3A_444, %add3A_445 : i32
      %add3A_447 = vector.broadcast %add3A_446 : i32 to vector<16xi32>
      %add3A_448 = arith.addi %iota3A, %add3A_447 : vector<16xi32>
      %eq3A_449 = arith.cmpi eq, %gather3A_442, %add3A_448 : vector<16xi32>
      %ne3A_450 = arith.constant 1 : i32
      %ne3A_451 = vector.broadcast %ne3A_450 : i32 to vector<16xi32>
      %ne3A_452 = arith.cmpi ne, %get3A_437, %ne3A_451 : vector<16xi32>
      %and3A_453 = arith.andi %eq3A_449, %ne3A_452 : vector<16xi1>
      %jit3A_454 = arith.constant 0.000000e+00 : f32
      %broadcast_in_dim3A_455 = vector.broadcast %jit3A_454 : f32 to vector<16xf32>
      %select_n3A_456 = arith.select %and3A_453, %get3A_441, %broadcast_in_dim3A_455 : vector<16xi1>, vector<16xf32>
      %add3A_457 = arith.addf %add3A_433, %select_n3A_456 : vector<16xf32>
      %add3A_458 = arith.constant 160 : i32
      %add3A_459 = arith.addi %mul3A_92, %add3A_458 : i32
      %get3A_460 = arith.index_cast %add3A_459 : i32 to index
      %get3A_461 = tpu.vector_load %arg5[%get3A_460] {strides = array<i32>} : memref<6416xi32, #tpu.memory_space<vmem>>, vector<16xi32>,
      %add3A_462 = arith.constant 160 : i32
      %add3A_463 = arith.addi %mul3A_92, %add3A_462 : i32
      %get3A_464 = arith.index_cast %add3A_463 : i32 to index
      %get3A_465 = tpu.vector_load %arg6[%get3A_464] {strides = array<i32>} : memref<6416xf32, #tpu.memory_space<vmem>>, vector<16xf32>,
      %gather3A_466 = tpu.vector_load_idx %arg7[%get3A_461] : memref<100000xi32, #tpu.memory_space<vmem>>[vector<16xi32>], vector<16xi32>,
      %mul3A_467 = arith.constant 256 : i32
      %mul3A_468 = arith.muli %scan3A_90, %mul3A_467 : i32
      %add3A_469 = arith.constant 160 : i32
      %add3A_470 = arith.addi %mul3A_468, %add3A_469 : i32
      %add3A_471 = vector.broadcast %add3A_470 : i32 to vector<16xi32>
      %add3A_472 = arith.addi %iota3A, %add3A_471 : vector<16xi32>
      %eq3A_473 = arith.cmpi eq, %gather3A_466, %add3A_472 : vector<16xi32>
      %ne3A_474 = arith.constant 1 : i32
      %ne3A_475 = vector.broadcast %ne3A_474 : i32 to vector<16xi32>
      %ne3A_476 = arith.cmpi ne, %get3A_461, %ne3A_475 : vector<16xi32>
      %and3A_477 = arith.andi %eq3A_473, %ne3A_476 : vector<16xi1>
      %jit3A_478 = arith.constant 0.000000e+00 : f32
      %broadcast_in_dim3A_479 = vector.broadcast %jit3A_478 : f32 to vector<16xf32>
      %select_n3A_480 = arith.select %and3A_477, %get3A_465, %broadcast_in_dim3A_479 : vector<16xi1>, vector<16xf32>
      %add3A_481 = arith.addf %add3A_457, %select_n3A_480 : vector<16xf32>
      %add3A_482 = arith.constant 176 : i32
      %add3A_483 = arith.addi %mul3A_92, %add3A_482 : i32
      %get3A_484 = arith.index_cast %add3A_483 : i32 to index
      %get3A_485 = tpu.vector_load %arg5[%get3A_484] {strides = array<i32>} : memref<6416xi32, #tpu.memory_space<vmem>>, vector<16xi32>,
      %add3A_486 = arith.constant 176 : i32
      %add3A_487 = arith.addi %mul3A_92, %add3A_486 : i32
      %get3A_488 = arith.index_cast %add3A_487 : i32 to index
      %get3A_489 = tpu.vector_load %arg6[%get3A_488] {strides = array<i32>} : memref<6416xf32, #tpu.memory_space<vmem>>, vector<16xf32>,
      %gather3A_490 = tpu.vector_load_idx %arg7[%get3A_485] : memref<100000xi32, #tpu.memory_space<vmem>>[vector<16xi32>], vector<16xi32>,
      %mul3A_491 = arith.constant 256 : i32
      %mul3A_492 = arith.muli %scan3A_90, %mul3A_491 : i32
      %add3A_493 = arith.constant 176 : i32
      %add3A_494 = arith.addi %mul3A_492, %add3A_493 : i32
      %add3A_495 = vector.broadcast %add3A_494 : i32 to vector<16xi32>
      %add3A_496 = arith.addi %iota3A, %add3A_495 : vector<16xi32>
      %eq3A_497 = arith.cmpi eq, %gather3A_490, %add3A_496 : vector<16xi32>
      %ne3A_498 = arith.constant 1 : i32
      %ne3A_499 = vector.broadcast %ne3A_498 : i32 to vector<16xi32>
      %ne3A_500 = arith.cmpi ne, %get3A_485, %ne3A_499 : vector<16xi32>
      %and3A_501 = arith.andi %eq3A_497, %ne3A_500 : vector<16xi1>
      %jit3A_502 = arith.constant 0.000000e+00 : f32
      %broadcast_in_dim3A_503 = vector.broadcast %jit3A_502 : f32 to vector<16xf32>
      %select_n3A_504 = arith.select %and3A_501, %get3A_489, %broadcast_in_dim3A_503 : vector<16xi1>, vector<16xf32>
      %add3A_505 = arith.addf %add3A_481, %select_n3A_504 : vector<16xf32>
      %add3A_506 = arith.constant 192 : i32
      %add3A_507 = arith.addi %mul3A_92, %add3A_506 : i32
      %get3A_508 = arith.index_cast %add3A_507 : i32 to index
      %get3A_509 = tpu.vector_load %arg5[%get3A_508] {strides = array<i32>} : memref<6416xi32, #tpu.memory_space<vmem>>, vector<16xi32>,
      %add3A_510 = arith.constant 192 : i32
      %add3A_511 = arith.addi %mul3A_92, %add3A_510 : i32
      %get3A_512 = arith.index_cast %add3A_511 : i32 to index
      %get3A_513 = tpu.vector_load %arg6[%get3A_512] {strides = array<i32>} : memref<6416xf32, #tpu.memory_space<vmem>>, vector<16xf32>,
      %gather3A_514 = tpu.vector_load_idx %arg7[%get3A_509] masked %lt3A_40 : memref<100000xi32, #tpu.memory_space<vmem>>[vector<16xi32>], vector<16xi32>, vector<16xi1>
      %mul3A_515 = arith.constant 256 : i32
      %mul3A_516 = arith.muli %scan3A_90, %mul3A_515 : i32
      %add3A_517 = arith.constant 192 : i32
      %add3A_518 = arith.addi %mul3A_516, %add3A_517 : i32
      %add3A_519 = vector.broadcast %add3A_518 : i32 to vector<16xi32>
      %add3A_520 = arith.addi %iota3A, %add3A_519 : vector<16xi32>
      %eq3A_521 = arith.cmpi eq, %gather3A_514, %add3A_520 : vector<16xi32>
      %ne3A_522 = arith.constant 1 : i32
      %ne3A_523 = vector.broadcast %ne3A_522 : i32 to vector<16xi32>
      %ne3A_524 = arith.cmpi ne, %get3A_509, %ne3A_523 : vector<16xi32>
      %and3A_525 = arith.andi %eq3A_521, %ne3A_524 : vector<16xi1>
      %and3A_526 = arith.andi %and3A_525, %lt3A_40 : vector<16xi1>
      %jit3A_527 = arith.constant 0.000000e+00 : f32
      %broadcast_in_dim3A_528 = vector.broadcast %jit3A_527 : f32 to vector<16xf32>
      %select_n3A_529 = arith.select %and3A_526, %get3A_513, %broadcast_in_dim3A_528 : vector<16xi1>, vector<16xf32>
      %add3A_530 = arith.addf %add3A_505, %select_n3A_529 : vector<16xf32>
      %reduce_sum3A = arith.constant true
      %reduce_sum3A_531 = vector.broadcast %reduce_sum3A : i1 to vector<16xi1>
      %reduce_sum3A_532 = tpu.scan <sum>, %add3A_530 masked %reduce_sum3A_531 : vector<16xf32>, vector<16xi1> -> vector<16xf32>
      %reduce_sum3A_533 = vector.extract %reduce_sum3A_532[15] : f32 from vector<16xf32>
      %broadcast_in_dim3A_534 = arith.constant 0 : i32
      %broadcast_in_dim3A_535 = vector.broadcast %broadcast_in_dim3A_534 : i32 to vector<16xi32>
      %add3A_536 = vector.broadcast %scan3A_90 : i32 to vector<16xi32>
      %add3A_537 = arith.addi %broadcast_in_dim3A_535, %add3A_536 : vector<16xi32>
      %broadcast_in_dim3A_538 = vector.broadcast %reduce_sum3A_533 : f32 to vector<16xf32>
      %eq3A_539 = arith.constant 0 : i32
      %eq3A_540 = vector.broadcast %eq3A_539 : i32 to vector<16xi32>
      %eq3A_541 = arith.cmpi eq, %iota3A, %eq3A_540 : vector<16xi32>
      tpu.vector_store_idx %arg8[%add3A_537], %broadcast_in_dim3A_538 masked %eq3A_541 : memref<32xf32, #tpu.memory_space<vmem>>[vector<16xi32>], vector<16xf32>, vector<16xi1>
    }
    %scan3A_63 = arith.constant 8 : i32
    "tpu.trace_stop"() : () -> ()
    "tpu.trace_start"() <{level = 10 : i32, message = "gather_wait"}> : () -> ()
    %dma_wait3A_64 = arith.constant 3200 : i32
    %dma_wait3A_65 = tpu.memref_slice %arg6[%dma_wait3A_64] : memref<6416xf32, #tpu.memory_space<vmem>> -> memref<1600xf32, #tpu.memory_space<vmem>>
    %dma_wait3A_66 = arith.constant 3200 : i32
    %dma_wait3A_67 = tpu.memref_slice %arg5[%dma_wait3A_66] : memref<6416xi32, #tpu.memory_space<vmem>> -> memref<1600xi32, #tpu.memory_space<vmem>>
    %dma_wait3A_68 = arith.constant 0 : i32
    %dma_wait3A_69 = tpu.memref_slice %arg9[%dma_wait3A_68] : memref<100000xf32, #tpu.memory_space<vmem_shared>> -> memref<100000xf32, #tpu.memory_space<vmem_shared>>
    tpu.wait_indirect_dma semaphore(%arg11 : memref<!tpu.dma_semaphore, #tpu.memory_space<semaphore_mem>>) src(%dma_wait3A_69 : memref<100000xf32, #tpu.memory_space<vmem_shared>>) dst(%dma_wait3A_65 : memref<1600xf32, #tpu.memory_space<vmem>>)
    "tpu.trace_stop"() : () -> ()
    "tpu.trace_start"() <{level = 10 : i32, message = "dedup_compute"}> : () -> ()
    %scan3A_70 = arith.constant 0 : i32
    %scan3A_71 = arith.constant 16 : i32
    %scan3A_72 = arith.constant 8 : i32
    %scan3A_73 = arith.addi %scan3A_71, %scan3A_72 : i32
    %scan3A_74 = arith.constant 1 : i32
    scf.for %scan3A_90 = %scan3A_71 to %scan3A_73 step %scan3A_74  : i32 {
      %mul3A_91 = arith.constant 200 : i32
      %mul3A_92 = arith.muli %scan3A_90, %mul3A_91 : i32
      %add3A_93 = arith.constant 0 : i32
      %add3A_94 = arith.addi %mul3A_92, %add3A_93 : i32
      %get3A = arith.index_cast %add3A_94 : i32 to index
      %get3A_95 = tpu.vector_load %arg5[%get3A] {strides = array<i32>} : memref<6416xi32, #tpu.memory_space<vmem>>, vector<16xi32>,
      %mul3A_96 = arith.constant 256 : i32
      %mul3A_97 = arith.muli %scan3A_90, %mul3A_96 : i32
      %add3A_98 = arith.constant 0 : i32
      %add3A_99 = arith.addi %mul3A_97, %add3A_98 : i32
      %add3A_100 = vector.broadcast %add3A_99 : i32 to vector<16xi32>
      %add3A_101 = arith.addi %iota3A, %add3A_100 : vector<16xi32>
      tpu.vector_store_idx %arg7[%get3A_95], %add3A_101 : memref<100000xi32, #tpu.memory_space<vmem>>[vector<16xi32>], vector<16xi32>,
      %add3A_102 = arith.constant 16 : i32
      %add3A_103 = arith.addi %mul3A_92, %add3A_102 : i32
      %get3A_104 = arith.index_cast %add3A_103 : i32 to index
      %get3A_105 = tpu.vector_load %arg5[%get3A_104] {strides = array<i32>} : memref<6416xi32, #tpu.memory_space<vmem>>, vector<16xi32>,
      %mul3A_106 = arith.constant 256 : i32
      %mul3A_107 = arith.muli %scan3A_90, %mul3A_106 : i32
      %add3A_108 = arith.constant 16 : i32
      %add3A_109 = arith.addi %mul3A_107, %add3A_108 : i32
      %add3A_110 = vector.broadcast %add3A_109 : i32 to vector<16xi32>
      %add3A_111 = arith.addi %iota3A, %add3A_110 : vector<16xi32>
      tpu.vector_store_idx %arg7[%get3A_105], %add3A_111 : memref<100000xi32, #tpu.memory_space<vmem>>[vector<16xi32>], vector<16xi32>,
      %add3A_112 = arith.constant 32 : i32
      %add3A_113 = arith.addi %mul3A_92, %add3A_112 : i32
      %get3A_114 = arith.index_cast %add3A_113 : i32 to index
      %get3A_115 = tpu.vector_load %arg5[%get3A_114] {strides = array<i32>} : memref<6416xi32, #tpu.memory_space<vmem>>, vector<16xi32>,
      %mul3A_116 = arith.constant 256 : i32
      %mul3A_117 = arith.muli %scan3A_90, %mul3A_116 : i32
      %add3A_118 = arith.constant 32 : i32
      %add3A_119 = arith.addi %mul3A_117, %add3A_118 : i32
      %add3A_120 = vector.broadcast %add3A_119 : i32 to vector<16xi32>
      %add3A_121 = arith.addi %iota3A, %add3A_120 : vector<16xi32>
      tpu.vector_store_idx %arg7[%get3A_115], %add3A_121 : memref<100000xi32, #tpu.memory_space<vmem>>[vector<16xi32>], vector<16xi32>,
      %add3A_122 = arith.constant 48 : i32
      %add3A_123 = arith.addi %mul3A_92, %add3A_122 : i32
      %get3A_124 = arith.index_cast %add3A_123 : i32 to index
      %get3A_125 = tpu.vector_load %arg5[%get3A_124] {strides = array<i32>} : memref<6416xi32, #tpu.memory_space<vmem>>, vector<16xi32>,
      %mul3A_126 = arith.constant 256 : i32
      %mul3A_127 = arith.muli %scan3A_90, %mul3A_126 : i32
      %add3A_128 = arith.constant 48 : i32
      %add3A_129 = arith.addi %mul3A_127, %add3A_128 : i32
      %add3A_130 = vector.broadcast %add3A_129 : i32 to vector<16xi32>
      %add3A_131 = arith.addi %iota3A, %add3A_130 : vector<16xi32>
      tpu.vector_store_idx %arg7[%get3A_125], %add3A_131 : memref<100000xi32, #tpu.memory_space<vmem>>[vector<16xi32>], vector<16xi32>,
      %add3A_132 = arith.constant 64 : i32
      %add3A_133 = arith.addi %mul3A_92, %add3A_132 : i32
      %get3A_134 = arith.index_cast %add3A_133 : i32 to index
      %get3A_135 = tpu.vector_load %arg5[%get3A_134] {strides = array<i32>} : memref<6416xi32, #tpu.memory_space<vmem>>, vector<16xi32>,
      %mul3A_136 = arith.constant 256 : i32
      %mul3A_137 = arith.muli %scan3A_90, %mul3A_136 : i32
      %add3A_138 = arith.constant 64 : i32
      %add3A_139 = arith.addi %mul3A_137, %add3A_138 : i32
      %add3A_140 = vector.broadcast %add3A_139 : i32 to vector<16xi32>
      %add3A_141 = arith.addi %iota3A, %add3A_140 : vector<16xi32>
      tpu.vector_store_idx %arg7[%get3A_135], %add3A_141 : memref<100000xi32, #tpu.memory_space<vmem>>[vector<16xi32>], vector<16xi32>,
      %add3A_142 = arith.constant 80 : i32
      %add3A_143 = arith.addi %mul3A_92, %add3A_142 : i32
      %get3A_144 = arith.index_cast %add3A_143 : i32 to index
      %get3A_145 = tpu.vector_load %arg5[%get3A_144] {strides = array<i32>} : memref<6416xi32, #tpu.memory_space<vmem>>, vector<16xi32>,
      %mul3A_146 = arith.constant 256 : i32
      %mul3A_147 = arith.muli %scan3A_90, %mul3A_146 : i32
      %add3A_148 = arith.constant 80 : i32
      %add3A_149 = arith.addi %mul3A_147, %add3A_148 : i32
      %add3A_150 = vector.broadcast %add3A_149 : i32 to vector<16xi32>
      %add3A_151 = arith.addi %iota3A, %add3A_150 : vector<16xi32>
      tpu.vector_store_idx %arg7[%get3A_145], %add3A_151 : memref<100000xi32, #tpu.memory_space<vmem>>[vector<16xi32>], vector<16xi32>,
      %add3A_152 = arith.constant 96 : i32
      %add3A_153 = arith.addi %mul3A_92, %add3A_152 : i32
      %get3A_154 = arith.index_cast %add3A_153 : i32 to index
      %get3A_155 = tpu.vector_load %arg5[%get3A_154] {strides = array<i32>} : memref<6416xi32, #tpu.memory_space<vmem>>, vector<16xi32>,
      %mul3A_156 = arith.constant 256 : i32
      %mul3A_157 = arith.muli %scan3A_90, %mul3A_156 : i32
      %add3A_158 = arith.constant 96 : i32
      %add3A_159 = arith.addi %mul3A_157, %add3A_158 : i32
      %add3A_160 = vector.broadcast %add3A_159 : i32 to vector<16xi32>
      %add3A_161 = arith.addi %iota3A, %add3A_160 : vector<16xi32>
      tpu.vector_store_idx %arg7[%get3A_155], %add3A_161 : memref<100000xi32, #tpu.memory_space<vmem>>[vector<16xi32>], vector<16xi32>,
      %add3A_162 = arith.constant 112 : i32
      %add3A_163 = arith.addi %mul3A_92, %add3A_162 : i32
      %get3A_164 = arith.index_cast %add3A_163 : i32 to index
      %get3A_165 = tpu.vector_load %arg5[%get3A_164] {strides = array<i32>} : memref<6416xi32, #tpu.memory_space<vmem>>, vector<16xi32>,
      %mul3A_166 = arith.constant 256 : i32
      %mul3A_167 = arith.muli %scan3A_90, %mul3A_166 : i32
      %add3A_168 = arith.constant 112 : i32
      %add3A_169 = arith.addi %mul3A_167, %add3A_168 : i32
      %add3A_170 = vector.broadcast %add3A_169 : i32 to vector<16xi32>
      %add3A_171 = arith.addi %iota3A, %add3A_170 : vector<16xi32>
      tpu.vector_store_idx %arg7[%get3A_165], %add3A_171 : memref<100000xi32, #tpu.memory_space<vmem>>[vector<16xi32>], vector<16xi32>,
      %add3A_172 = arith.constant 128 : i32
      %add3A_173 = arith.addi %mul3A_92, %add3A_172 : i32
      %get3A_174 = arith.index_cast %add3A_173 : i32 to index
      %get3A_175 = tpu.vector_load %arg5[%get3A_174] {strides = array<i32>} : memref<6416xi32, #tpu.memory_space<vmem>>, vector<16xi32>,
      %mul3A_176 = arith.constant 256 : i32
      %mul3A_177 = arith.muli %scan3A_90, %mul3A_176 : i32
      %add3A_178 = arith.constant 128 : i32
      %add3A_179 = arith.addi %mul3A_177, %add3A_178 : i32
      %add3A_180 = vector.broadcast %add3A_179 : i32 to vector<16xi32>
      %add3A_181 = arith.addi %iota3A, %add3A_180 : vector<16xi32>
      tpu.vector_store_idx %arg7[%get3A_175], %add3A_181 : memref<100000xi32, #tpu.memory_space<vmem>>[vector<16xi32>], vector<16xi32>,
      %add3A_182 = arith.constant 144 : i32
      %add3A_183 = arith.addi %mul3A_92, %add3A_182 : i32
      %get3A_184 = arith.index_cast %add3A_183 : i32 to index
      %get3A_185 = tpu.vector_load %arg5[%get3A_184] {strides = array<i32>} : memref<6416xi32, #tpu.memory_space<vmem>>, vector<16xi32>,
      %mul3A_186 = arith.constant 256 : i32
      %mul3A_187 = arith.muli %scan3A_90, %mul3A_186 : i32
      %add3A_188 = arith.constant 144 : i32
      %add3A_189 = arith.addi %mul3A_187, %add3A_188 : i32
      %add3A_190 = vector.broadcast %add3A_189 : i32 to vector<16xi32>
      %add3A_191 = arith.addi %iota3A, %add3A_190 : vector<16xi32>
      tpu.vector_store_idx %arg7[%get3A_185], %add3A_191 : memref<100000xi32, #tpu.memory_space<vmem>>[vector<16xi32>], vector<16xi32>,
      %add3A_192 = arith.constant 160 : i32
      %add3A_193 = arith.addi %mul3A_92, %add3A_192 : i32
      %get3A_194 = arith.index_cast %add3A_193 : i32 to index
      %get3A_195 = tpu.vector_load %arg5[%get3A_194] {strides = array<i32>} : memref<6416xi32, #tpu.memory_space<vmem>>, vector<16xi32>,
      %mul3A_196 = arith.constant 256 : i32
      %mul3A_197 = arith.muli %scan3A_90, %mul3A_196 : i32
      %add3A_198 = arith.constant 160 : i32
      %add3A_199 = arith.addi %mul3A_197, %add3A_198 : i32
      %add3A_200 = vector.broadcast %add3A_199 : i32 to vector<16xi32>
      %add3A_201 = arith.addi %iota3A, %add3A_200 : vector<16xi32>
      tpu.vector_store_idx %arg7[%get3A_195], %add3A_201 : memref<100000xi32, #tpu.memory_space<vmem>>[vector<16xi32>], vector<16xi32>,
      %add3A_202 = arith.constant 176 : i32
      %add3A_203 = arith.addi %mul3A_92, %add3A_202 : i32
      %get3A_204 = arith.index_cast %add3A_203 : i32 to index
      %get3A_205 = tpu.vector_load %arg5[%get3A_204] {strides = array<i32>} : memref<6416xi32, #tpu.memory_space<vmem>>, vector<16xi32>,
      %mul3A_206 = arith.constant 256 : i32
      %mul3A_207 = arith.muli %scan3A_90, %mul3A_206 : i32
      %add3A_208 = arith.constant 176 : i32
      %add3A_209 = arith.addi %mul3A_207, %add3A_208 : i32
      %add3A_210 = vector.broadcast %add3A_209 : i32 to vector<16xi32>
      %add3A_211 = arith.addi %iota3A, %add3A_210 : vector<16xi32>
      tpu.vector_store_idx %arg7[%get3A_205], %add3A_211 : memref<100000xi32, #tpu.memory_space<vmem>>[vector<16xi32>], vector<16xi32>,
      %add3A_212 = arith.constant 192 : i32
      %add3A_213 = arith.addi %mul3A_92, %add3A_212 : i32
      %get3A_214 = arith.index_cast %add3A_213 : i32 to index
      %get3A_215 = tpu.vector_load %arg5[%get3A_214] {strides = array<i32>} : memref<6416xi32, #tpu.memory_space<vmem>>, vector<16xi32>,
      %mul3A_216 = arith.constant 256 : i32
      %mul3A_217 = arith.muli %scan3A_90, %mul3A_216 : i32
      %add3A_218 = arith.constant 192 : i32
      %add3A_219 = arith.addi %mul3A_217, %add3A_218 : i32
      %add3A_220 = vector.broadcast %add3A_219 : i32 to vector<16xi32>
      %add3A_221 = arith.addi %iota3A, %add3A_220 : vector<16xi32>
      tpu.vector_store_idx %arg7[%get3A_215], %add3A_221 masked %lt3A_40 : memref<100000xi32, #tpu.memory_space<vmem>>[vector<16xi32>], vector<16xi32>, vector<16xi1>
      %broadcast_in_dim3A = arith.constant 0.000000e+00 : f32
      %broadcast_in_dim3A_222 = vector.broadcast %broadcast_in_dim3A : f32 to vector<16xf32>
      %add3A_223 = arith.constant 0 : i32
      %add3A_224 = arith.addi %mul3A_92, %add3A_223 : i32
      %get3A_225 = arith.index_cast %add3A_224 : i32 to index
      %get3A_226 = tpu.vector_load %arg5[%get3A_225] {strides = array<i32>} : memref<6416xi32, #tpu.memory_space<vmem>>, vector<16xi32>,
      %add3A_227 = arith.constant 0 : i32
      %add3A_228 = arith.addi %mul3A_92, %add3A_227 : i32
      %get3A_229 = arith.index_cast %add3A_228 : i32 to index
      %get3A_230 = tpu.vector_load %arg6[%get3A_229] {strides = array<i32>} : memref<6416xf32, #tpu.memory_space<vmem>>, vector<16xf32>,
      %gather3A = tpu.vector_load_idx %arg7[%get3A_226] : memref<100000xi32, #tpu.memory_space<vmem>>[vector<16xi32>], vector<16xi32>,
      %mul3A_231 = arith.constant 256 : i32
      %mul3A_232 = arith.muli %scan3A_90, %mul3A_231 : i32
      %add3A_233 = arith.constant 0 : i32
      %add3A_234 = arith.addi %mul3A_232, %add3A_233 : i32
      %add3A_235 = vector.broadcast %add3A_234 : i32 to vector<16xi32>
      %add3A_236 = arith.addi %iota3A, %add3A_235 : vector<16xi32>
      %eq3A_237 = arith.cmpi eq, %gather3A, %add3A_236 : vector<16xi32>
      %ne3A = arith.constant 1 : i32
      %ne3A_238 = vector.broadcast %ne3A : i32 to vector<16xi32>
      %ne3A_239 = arith.cmpi ne, %get3A_226, %ne3A_238 : vector<16xi32>
      %and3A = arith.andi %eq3A_237, %ne3A_239 : vector<16xi1>
      %jit3A = arith.constant 0.000000e+00 : f32
      %broadcast_in_dim3A_240 = vector.broadcast %jit3A : f32 to vector<16xf32>
      %select_n3A = arith.select %and3A, %get3A_230, %broadcast_in_dim3A_240 : vector<16xi1>, vector<16xf32>
      %add3A_241 = arith.addf %broadcast_in_dim3A_222, %select_n3A : vector<16xf32>
      %add3A_242 = arith.constant 16 : i32
      %add3A_243 = arith.addi %mul3A_92, %add3A_242 : i32
      %get3A_244 = arith.index_cast %add3A_243 : i32 to index
      %get3A_245 = tpu.vector_load %arg5[%get3A_244] {strides = array<i32>} : memref<6416xi32, #tpu.memory_space<vmem>>, vector<16xi32>,
      %add3A_246 = arith.constant 16 : i32
      %add3A_247 = arith.addi %mul3A_92, %add3A_246 : i32
      %get3A_248 = arith.index_cast %add3A_247 : i32 to index
      %get3A_249 = tpu.vector_load %arg6[%get3A_248] {strides = array<i32>} : memref<6416xf32, #tpu.memory_space<vmem>>, vector<16xf32>,
      %gather3A_250 = tpu.vector_load_idx %arg7[%get3A_245] : memref<100000xi32, #tpu.memory_space<vmem>>[vector<16xi32>], vector<16xi32>,
      %mul3A_251 = arith.constant 256 : i32
      %mul3A_252 = arith.muli %scan3A_90, %mul3A_251 : i32
      %add3A_253 = arith.constant 16 : i32
      %add3A_254 = arith.addi %mul3A_252, %add3A_253 : i32
      %add3A_255 = vector.broadcast %add3A_254 : i32 to vector<16xi32>
      %add3A_256 = arith.addi %iota3A, %add3A_255 : vector<16xi32>
      %eq3A_257 = arith.cmpi eq, %gather3A_250, %add3A_256 : vector<16xi32>
      %ne3A_258 = arith.constant 1 : i32
      %ne3A_259 = vector.broadcast %ne3A_258 : i32 to vector<16xi32>
      %ne3A_260 = arith.cmpi ne, %get3A_245, %ne3A_259 : vector<16xi32>
      %and3A_261 = arith.andi %eq3A_257, %ne3A_260 : vector<16xi1>
      %jit3A_262 = arith.constant 0.000000e+00 : f32
      %broadcast_in_dim3A_263 = vector.broadcast %jit3A_262 : f32 to vector<16xf32>
      %select_n3A_264 = arith.select %and3A_261, %get3A_249, %broadcast_in_dim3A_263 : vector<16xi1>, vector<16xf32>
      %add3A_265 = arith.addf %add3A_241, %select_n3A_264 : vector<16xf32>
      %add3A_266 = arith.constant 32 : i32
      %add3A_267 = arith.addi %mul3A_92, %add3A_266 : i32
      %get3A_268 = arith.index_cast %add3A_267 : i32 to index
      %get3A_269 = tpu.vector_load %arg5[%get3A_268] {strides = array<i32>} : memref<6416xi32, #tpu.memory_space<vmem>>, vector<16xi32>,
      %add3A_270 = arith.constant 32 : i32
      %add3A_271 = arith.addi %mul3A_92, %add3A_270 : i32
      %get3A_272 = arith.index_cast %add3A_271 : i32 to index
      %get3A_273 = tpu.vector_load %arg6[%get3A_272] {strides = array<i32>} : memref<6416xf32, #tpu.memory_space<vmem>>, vector<16xf32>,
      %gather3A_274 = tpu.vector_load_idx %arg7[%get3A_269] : memref<100000xi32, #tpu.memory_space<vmem>>[vector<16xi32>], vector<16xi32>,
      %mul3A_275 = arith.constant 256 : i32
      %mul3A_276 = arith.muli %scan3A_90, %mul3A_275 : i32
      %add3A_277 = arith.constant 32 : i32
      %add3A_278 = arith.addi %mul3A_276, %add3A_277 : i32
      %add3A_279 = vector.broadcast %add3A_278 : i32 to vector<16xi32>
      %add3A_280 = arith.addi %iota3A, %add3A_279 : vector<16xi32>
      %eq3A_281 = arith.cmpi eq, %gather3A_274, %add3A_280 : vector<16xi32>
      %ne3A_282 = arith.constant 1 : i32
      %ne3A_283 = vector.broadcast %ne3A_282 : i32 to vector<16xi32>
      %ne3A_284 = arith.cmpi ne, %get3A_269, %ne3A_283 : vector<16xi32>
      %and3A_285 = arith.andi %eq3A_281, %ne3A_284 : vector<16xi1>
      %jit3A_286 = arith.constant 0.000000e+00 : f32
      %broadcast_in_dim3A_287 = vector.broadcast %jit3A_286 : f32 to vector<16xf32>
      %select_n3A_288 = arith.select %and3A_285, %get3A_273, %broadcast_in_dim3A_287 : vector<16xi1>, vector<16xf32>
      %add3A_289 = arith.addf %add3A_265, %select_n3A_288 : vector<16xf32>
      %add3A_290 = arith.constant 48 : i32
      %add3A_291 = arith.addi %mul3A_92, %add3A_290 : i32
      %get3A_292 = arith.index_cast %add3A_291 : i32 to index
      %get3A_293 = tpu.vector_load %arg5[%get3A_292] {strides = array<i32>} : memref<6416xi32, #tpu.memory_space<vmem>>, vector<16xi32>,
      %add3A_294 = arith.constant 48 : i32
      %add3A_295 = arith.addi %mul3A_92, %add3A_294 : i32
      %get3A_296 = arith.index_cast %add3A_295 : i32 to index
      %get3A_297 = tpu.vector_load %arg6[%get3A_296] {strides = array<i32>} : memref<6416xf32, #tpu.memory_space<vmem>>, vector<16xf32>,
      %gather3A_298 = tpu.vector_load_idx %arg7[%get3A_293] : memref<100000xi32, #tpu.memory_space<vmem>>[vector<16xi32>], vector<16xi32>,
      %mul3A_299 = arith.constant 256 : i32
      %mul3A_300 = arith.muli %scan3A_90, %mul3A_299 : i32
      %add3A_301 = arith.constant 48 : i32
      %add3A_302 = arith.addi %mul3A_300, %add3A_301 : i32
      %add3A_303 = vector.broadcast %add3A_302 : i32 to vector<16xi32>
      %add3A_304 = arith.addi %iota3A, %add3A_303 : vector<16xi32>
      %eq3A_305 = arith.cmpi eq, %gather3A_298, %add3A_304 : vector<16xi32>
      %ne3A_306 = arith.constant 1 : i32
      %ne3A_307 = vector.broadcast %ne3A_306 : i32 to vector<16xi32>
      %ne3A_308 = arith.cmpi ne, %get3A_293, %ne3A_307 : vector<16xi32>
      %and3A_309 = arith.andi %eq3A_305, %ne3A_308 : vector<16xi1>
      %jit3A_310 = arith.constant 0.000000e+00 : f32
      %broadcast_in_dim3A_311 = vector.broadcast %jit3A_310 : f32 to vector<16xf32>
      %select_n3A_312 = arith.select %and3A_309, %get3A_297, %broadcast_in_dim3A_311 : vector<16xi1>, vector<16xf32>
      %add3A_313 = arith.addf %add3A_289, %select_n3A_312 : vector<16xf32>
      %add3A_314 = arith.constant 64 : i32
      %add3A_315 = arith.addi %mul3A_92, %add3A_314 : i32
      %get3A_316 = arith.index_cast %add3A_315 : i32 to index
      %get3A_317 = tpu.vector_load %arg5[%get3A_316] {strides = array<i32>} : memref<6416xi32, #tpu.memory_space<vmem>>, vector<16xi32>,
      %add3A_318 = arith.constant 64 : i32
      %add3A_319 = arith.addi %mul3A_92, %add3A_318 : i32
      %get3A_320 = arith.index_cast %add3A_319 : i32 to index
      %get3A_321 = tpu.vector_load %arg6[%get3A_320] {strides = array<i32>} : memref<6416xf32, #tpu.memory_space<vmem>>, vector<16xf32>,
      %gather3A_322 = tpu.vector_load_idx %arg7[%get3A_317] : memref<100000xi32, #tpu.memory_space<vmem>>[vector<16xi32>], vector<16xi32>,
      %mul3A_323 = arith.constant 256 : i32
      %mul3A_324 = arith.muli %scan3A_90, %mul3A_323 : i32
      %add3A_325 = arith.constant 64 : i32
      %add3A_326 = arith.addi %mul3A_324, %add3A_325 : i32
      %add3A_327 = vector.broadcast %add3A_326 : i32 to vector<16xi32>
      %add3A_328 = arith.addi %iota3A, %add3A_327 : vector<16xi32>
      %eq3A_329 = arith.cmpi eq, %gather3A_322, %add3A_328 : vector<16xi32>
      %ne3A_330 = arith.constant 1 : i32
      %ne3A_331 = vector.broadcast %ne3A_330 : i32 to vector<16xi32>
      %ne3A_332 = arith.cmpi ne, %get3A_317, %ne3A_331 : vector<16xi32>
      %and3A_333 = arith.andi %eq3A_329, %ne3A_332 : vector<16xi1>
      %jit3A_334 = arith.constant 0.000000e+00 : f32
      %broadcast_in_dim3A_335 = vector.broadcast %jit3A_334 : f32 to vector<16xf32>
      %select_n3A_336 = arith.select %and3A_333, %get3A_321, %broadcast_in_dim3A_335 : vector<16xi1>, vector<16xf32>
      %add3A_337 = arith.addf %add3A_313, %select_n3A_336 : vector<16xf32>
      %add3A_338 = arith.constant 80 : i32
      %add3A_339 = arith.addi %mul3A_92, %add3A_338 : i32
      %get3A_340 = arith.index_cast %add3A_339 : i32 to index
      %get3A_341 = tpu.vector_load %arg5[%get3A_340] {strides = array<i32>} : memref<6416xi32, #tpu.memory_space<vmem>>, vector<16xi32>,
      %add3A_342 = arith.constant 80 : i32
      %add3A_343 = arith.addi %mul3A_92, %add3A_342 : i32
      %get3A_344 = arith.index_cast %add3A_343 : i32 to index
      %get3A_345 = tpu.vector_load %arg6[%get3A_344] {strides = array<i32>} : memref<6416xf32, #tpu.memory_space<vmem>>, vector<16xf32>,
      %gather3A_346 = tpu.vector_load_idx %arg7[%get3A_341] : memref<100000xi32, #tpu.memory_space<vmem>>[vector<16xi32>], vector<16xi32>,
      %mul3A_347 = arith.constant 256 : i32
      %mul3A_348 = arith.muli %scan3A_90, %mul3A_347 : i32
      %add3A_349 = arith.constant 80 : i32
      %add3A_350 = arith.addi %mul3A_348, %add3A_349 : i32
      %add3A_351 = vector.broadcast %add3A_350 : i32 to vector<16xi32>
      %add3A_352 = arith.addi %iota3A, %add3A_351 : vector<16xi32>
      %eq3A_353 = arith.cmpi eq, %gather3A_346, %add3A_352 : vector<16xi32>
      %ne3A_354 = arith.constant 1 : i32
      %ne3A_355 = vector.broadcast %ne3A_354 : i32 to vector<16xi32>
      %ne3A_356 = arith.cmpi ne, %get3A_341, %ne3A_355 : vector<16xi32>
      %and3A_357 = arith.andi %eq3A_353, %ne3A_356 : vector<16xi1>
      %jit3A_358 = arith.constant 0.000000e+00 : f32
      %broadcast_in_dim3A_359 = vector.broadcast %jit3A_358 : f32 to vector<16xf32>
      %select_n3A_360 = arith.select %and3A_357, %get3A_345, %broadcast_in_dim3A_359 : vector<16xi1>, vector<16xf32>
      %add3A_361 = arith.addf %add3A_337, %select_n3A_360 : vector<16xf32>
      %add3A_362 = arith.constant 96 : i32
      %add3A_363 = arith.addi %mul3A_92, %add3A_362 : i32
      %get3A_364 = arith.index_cast %add3A_363 : i32 to index
      %get3A_365 = tpu.vector_load %arg5[%get3A_364] {strides = array<i32>} : memref<6416xi32, #tpu.memory_space<vmem>>, vector<16xi32>,
      %add3A_366 = arith.constant 96 : i32
      %add3A_367 = arith.addi %mul3A_92, %add3A_366 : i32
      %get3A_368 = arith.index_cast %add3A_367 : i32 to index
      %get3A_369 = tpu.vector_load %arg6[%get3A_368] {strides = array<i32>} : memref<6416xf32, #tpu.memory_space<vmem>>, vector<16xf32>,
      %gather3A_370 = tpu.vector_load_idx %arg7[%get3A_365] : memref<100000xi32, #tpu.memory_space<vmem>>[vector<16xi32>], vector<16xi32>,
      %mul3A_371 = arith.constant 256 : i32
      %mul3A_372 = arith.muli %scan3A_90, %mul3A_371 : i32
      %add3A_373 = arith.constant 96 : i32
      %add3A_374 = arith.addi %mul3A_372, %add3A_373 : i32
      %add3A_375 = vector.broadcast %add3A_374 : i32 to vector<16xi32>
      %add3A_376 = arith.addi %iota3A, %add3A_375 : vector<16xi32>
      %eq3A_377 = arith.cmpi eq, %gather3A_370, %add3A_376 : vector<16xi32>
      %ne3A_378 = arith.constant 1 : i32
      %ne3A_379 = vector.broadcast %ne3A_378 : i32 to vector<16xi32>
      %ne3A_380 = arith.cmpi ne, %get3A_365, %ne3A_379 : vector<16xi32>
      %and3A_381 = arith.andi %eq3A_377, %ne3A_380 : vector<16xi1>
      %jit3A_382 = arith.constant 0.000000e+00 : f32
      %broadcast_in_dim3A_383 = vector.broadcast %jit3A_382 : f32 to vector<16xf32>
      %select_n3A_384 = arith.select %and3A_381, %get3A_369, %broadcast_in_dim3A_383 : vector<16xi1>, vector<16xf32>
      %add3A_385 = arith.addf %add3A_361, %select_n3A_384 : vector<16xf32>
      %add3A_386 = arith.constant 112 : i32
      %add3A_387 = arith.addi %mul3A_92, %add3A_386 : i32
      %get3A_388 = arith.index_cast %add3A_387 : i32 to index
      %get3A_389 = tpu.vector_load %arg5[%get3A_388] {strides = array<i32>} : memref<6416xi32, #tpu.memory_space<vmem>>, vector<16xi32>,
      %add3A_390 = arith.constant 112 : i32
      %add3A_391 = arith.addi %mul3A_92, %add3A_390 : i32
      %get3A_392 = arith.index_cast %add3A_391 : i32 to index
      %get3A_393 = tpu.vector_load %arg6[%get3A_392] {strides = array<i32>} : memref<6416xf32, #tpu.memory_space<vmem>>, vector<16xf32>,
      %gather3A_394 = tpu.vector_load_idx %arg7[%get3A_389] : memref<100000xi32, #tpu.memory_space<vmem>>[vector<16xi32>], vector<16xi32>,
      %mul3A_395 = arith.constant 256 : i32
      %mul3A_396 = arith.muli %scan3A_90, %mul3A_395 : i32
      %add3A_397 = arith.constant 112 : i32
      %add3A_398 = arith.addi %mul3A_396, %add3A_397 : i32
      %add3A_399 = vector.broadcast %add3A_398 : i32 to vector<16xi32>
      %add3A_400 = arith.addi %iota3A, %add3A_399 : vector<16xi32>
      %eq3A_401 = arith.cmpi eq, %gather3A_394, %add3A_400 : vector<16xi32>
      %ne3A_402 = arith.constant 1 : i32
      %ne3A_403 = vector.broadcast %ne3A_402 : i32 to vector<16xi32>
      %ne3A_404 = arith.cmpi ne, %get3A_389, %ne3A_403 : vector<16xi32>
      %and3A_405 = arith.andi %eq3A_401, %ne3A_404 : vector<16xi1>
      %jit3A_406 = arith.constant 0.000000e+00 : f32
      %broadcast_in_dim3A_407 = vector.broadcast %jit3A_406 : f32 to vector<16xf32>
      %select_n3A_408 = arith.select %and3A_405, %get3A_393, %broadcast_in_dim3A_407 : vector<16xi1>, vector<16xf32>
      %add3A_409 = arith.addf %add3A_385, %select_n3A_408 : vector<16xf32>
      %add3A_410 = arith.constant 128 : i32
      %add3A_411 = arith.addi %mul3A_92, %add3A_410 : i32
      %get3A_412 = arith.index_cast %add3A_411 : i32 to index
      %get3A_413 = tpu.vector_load %arg5[%get3A_412] {strides = array<i32>} : memref<6416xi32, #tpu.memory_space<vmem>>, vector<16xi32>,
      %add3A_414 = arith.constant 128 : i32
      %add3A_415 = arith.addi %mul3A_92, %add3A_414 : i32
      %get3A_416 = arith.index_cast %add3A_415 : i32 to index
      %get3A_417 = tpu.vector_load %arg6[%get3A_416] {strides = array<i32>} : memref<6416xf32, #tpu.memory_space<vmem>>, vector<16xf32>,
      %gather3A_418 = tpu.vector_load_idx %arg7[%get3A_413] : memref<100000xi32, #tpu.memory_space<vmem>>[vector<16xi32>], vector<16xi32>,
      %mul3A_419 = arith.constant 256 : i32
      %mul3A_420 = arith.muli %scan3A_90, %mul3A_419 : i32
      %add3A_421 = arith.constant 128 : i32
      %add3A_422 = arith.addi %mul3A_420, %add3A_421 : i32
      %add3A_423 = vector.broadcast %add3A_422 : i32 to vector<16xi32>
      %add3A_424 = arith.addi %iota3A, %add3A_423 : vector<16xi32>
      %eq3A_425 = arith.cmpi eq, %gather3A_418, %add3A_424 : vector<16xi32>
      %ne3A_426 = arith.constant 1 : i32
      %ne3A_427 = vector.broadcast %ne3A_426 : i32 to vector<16xi32>
      %ne3A_428 = arith.cmpi ne, %get3A_413, %ne3A_427 : vector<16xi32>
      %and3A_429 = arith.andi %eq3A_425, %ne3A_428 : vector<16xi1>
      %jit3A_430 = arith.constant 0.000000e+00 : f32
      %broadcast_in_dim3A_431 = vector.broadcast %jit3A_430 : f32 to vector<16xf32>
      %select_n3A_432 = arith.select %and3A_429, %get3A_417, %broadcast_in_dim3A_431 : vector<16xi1>, vector<16xf32>
      %add3A_433 = arith.addf %add3A_409, %select_n3A_432 : vector<16xf32>
      %add3A_434 = arith.constant 144 : i32
      %add3A_435 = arith.addi %mul3A_92, %add3A_434 : i32
      %get3A_436 = arith.index_cast %add3A_435 : i32 to index
      %get3A_437 = tpu.vector_load %arg5[%get3A_436] {strides = array<i32>} : memref<6416xi32, #tpu.memory_space<vmem>>, vector<16xi32>,
      %add3A_438 = arith.constant 144 : i32
      %add3A_439 = arith.addi %mul3A_92, %add3A_438 : i32
      %get3A_440 = arith.index_cast %add3A_439 : i32 to index
      %get3A_441 = tpu.vector_load %arg6[%get3A_440] {strides = array<i32>} : memref<6416xf32, #tpu.memory_space<vmem>>, vector<16xf32>,
      %gather3A_442 = tpu.vector_load_idx %arg7[%get3A_437] : memref<100000xi32, #tpu.memory_space<vmem>>[vector<16xi32>], vector<16xi32>,
      %mul3A_443 = arith.constant 256 : i32
      %mul3A_444 = arith.muli %scan3A_90, %mul3A_443 : i32
      %add3A_445 = arith.constant 144 : i32
      %add3A_446 = arith.addi %mul3A_444, %add3A_445 : i32
      %add3A_447 = vector.broadcast %add3A_446 : i32 to vector<16xi32>
      %add3A_448 = arith.addi %iota3A, %add3A_447 : vector<16xi32>
      %eq3A_449 = arith.cmpi eq, %gather3A_442, %add3A_448 : vector<16xi32>
      %ne3A_450 = arith.constant 1 : i32
      %ne3A_451 = vector.broadcast %ne3A_450 : i32 to vector<16xi32>
      %ne3A_452 = arith.cmpi ne, %get3A_437, %ne3A_451 : vector<16xi32>
      %and3A_453 = arith.andi %eq3A_449, %ne3A_452 : vector<16xi1>
      %jit3A_454 = arith.constant 0.000000e+00 : f32
      %broadcast_in_dim3A_455 = vector.broadcast %jit3A_454 : f32 to vector<16xf32>
      %select_n3A_456 = arith.select %and3A_453, %get3A_441, %broadcast_in_dim3A_455 : vector<16xi1>, vector<16xf32>
      %add3A_457 = arith.addf %add3A_433, %select_n3A_456 : vector<16xf32>
      %add3A_458 = arith.constant 160 : i32
      %add3A_459 = arith.addi %mul3A_92, %add3A_458 : i32
      %get3A_460 = arith.index_cast %add3A_459 : i32 to index
      %get3A_461 = tpu.vector_load %arg5[%get3A_460] {strides = array<i32>} : memref<6416xi32, #tpu.memory_space<vmem>>, vector<16xi32>,
      %add3A_462 = arith.constant 160 : i32
      %add3A_463 = arith.addi %mul3A_92, %add3A_462 : i32
      %get3A_464 = arith.index_cast %add3A_463 : i32 to index
      %get3A_465 = tpu.vector_load %arg6[%get3A_464] {strides = array<i32>} : memref<6416xf32, #tpu.memory_space<vmem>>, vector<16xf32>,
      %gather3A_466 = tpu.vector_load_idx %arg7[%get3A_461] : memref<100000xi32, #tpu.memory_space<vmem>>[vector<16xi32>], vector<16xi32>,
      %mul3A_467 = arith.constant 256 : i32
      %mul3A_468 = arith.muli %scan3A_90, %mul3A_467 : i32
      %add3A_469 = arith.constant 160 : i32
      %add3A_470 = arith.addi %mul3A_468, %add3A_469 : i32
      %add3A_471 = vector.broadcast %add3A_470 : i32 to vector<16xi32>
      %add3A_472 = arith.addi %iota3A, %add3A_471 : vector<16xi32>
      %eq3A_473 = arith.cmpi eq, %gather3A_466, %add3A_472 : vector<16xi32>
      %ne3A_474 = arith.constant 1 : i32
      %ne3A_475 = vector.broadcast %ne3A_474 : i32 to vector<16xi32>
      %ne3A_476 = arith.cmpi ne, %get3A_461, %ne3A_475 : vector<16xi32>
      %and3A_477 = arith.andi %eq3A_473, %ne3A_476 : vector<16xi1>
      %jit3A_478 = arith.constant 0.000000e+00 : f32
      %broadcast_in_dim3A_479 = vector.broadcast %jit3A_478 : f32 to vector<16xf32>
      %select_n3A_480 = arith.select %and3A_477, %get3A_465, %broadcast_in_dim3A_479 : vector<16xi1>, vector<16xf32>
      %add3A_481 = arith.addf %add3A_457, %select_n3A_480 : vector<16xf32>
      %add3A_482 = arith.constant 176 : i32
      %add3A_483 = arith.addi %mul3A_92, %add3A_482 : i32
      %get3A_484 = arith.index_cast %add3A_483 : i32 to index
      %get3A_485 = tpu.vector_load %arg5[%get3A_484] {strides = array<i32>} : memref<6416xi32, #tpu.memory_space<vmem>>, vector<16xi32>,
      %add3A_486 = arith.constant 176 : i32
      %add3A_487 = arith.addi %mul3A_92, %add3A_486 : i32
      %get3A_488 = arith.index_cast %add3A_487 : i32 to index
      %get3A_489 = tpu.vector_load %arg6[%get3A_488] {strides = array<i32>} : memref<6416xf32, #tpu.memory_space<vmem>>, vector<16xf32>,
      %gather3A_490 = tpu.vector_load_idx %arg7[%get3A_485] : memref<100000xi32, #tpu.memory_space<vmem>>[vector<16xi32>], vector<16xi32>,
      %mul3A_491 = arith.constant 256 : i32
      %mul3A_492 = arith.muli %scan3A_90, %mul3A_491 : i32
      %add3A_493 = arith.constant 176 : i32
      %add3A_494 = arith.addi %mul3A_492, %add3A_493 : i32
      %add3A_495 = vector.broadcast %add3A_494 : i32 to vector<16xi32>
      %add3A_496 = arith.addi %iota3A, %add3A_495 : vector<16xi32>
      %eq3A_497 = arith.cmpi eq, %gather3A_490, %add3A_496 : vector<16xi32>
      %ne3A_498 = arith.constant 1 : i32
      %ne3A_499 = vector.broadcast %ne3A_498 : i32 to vector<16xi32>
      %ne3A_500 = arith.cmpi ne, %get3A_485, %ne3A_499 : vector<16xi32>
      %and3A_501 = arith.andi %eq3A_497, %ne3A_500 : vector<16xi1>
      %jit3A_502 = arith.constant 0.000000e+00 : f32
      %broadcast_in_dim3A_503 = vector.broadcast %jit3A_502 : f32 to vector<16xf32>
      %select_n3A_504 = arith.select %and3A_501, %get3A_489, %broadcast_in_dim3A_503 : vector<16xi1>, vector<16xf32>
      %add3A_505 = arith.addf %add3A_481, %select_n3A_504 : vector<16xf32>
      %add3A_506 = arith.constant 192 : i32
      %add3A_507 = arith.addi %mul3A_92, %add3A_506 : i32
      %get3A_508 = arith.index_cast %add3A_507 : i32 to index
      %get3A_509 = tpu.vector_load %arg5[%get3A_508] {strides = array<i32>} : memref<6416xi32, #tpu.memory_space<vmem>>, vector<16xi32>,
      %add3A_510 = arith.constant 192 : i32
      %add3A_511 = arith.addi %mul3A_92, %add3A_510 : i32
      %get3A_512 = arith.index_cast %add3A_511 : i32 to index
      %get3A_513 = tpu.vector_load %arg6[%get3A_512] {strides = array<i32>} : memref<6416xf32, #tpu.memory_space<vmem>>, vector<16xf32>,
      %gather3A_514 = tpu.vector_load_idx %arg7[%get3A_509] masked %lt3A_40 : memref<100000xi32, #tpu.memory_space<vmem>>[vector<16xi32>], vector<16xi32>, vector<16xi1>
      %mul3A_515 = arith.constant 256 : i32
      %mul3A_516 = arith.muli %scan3A_90, %mul3A_515 : i32
      %add3A_517 = arith.constant 192 : i32
      %add3A_518 = arith.addi %mul3A_516, %add3A_517 : i32
      %add3A_519 = vector.broadcast %add3A_518 : i32 to vector<16xi32>
      %add3A_520 = arith.addi %iota3A, %add3A_519 : vector<16xi32>
      %eq3A_521 = arith.cmpi eq, %gather3A_514, %add3A_520 : vector<16xi32>
      %ne3A_522 = arith.constant 1 : i32
      %ne3A_523 = vector.broadcast %ne3A_522 : i32 to vector<16xi32>
      %ne3A_524 = arith.cmpi ne, %get3A_509, %ne3A_523 : vector<16xi32>
      %and3A_525 = arith.andi %eq3A_521, %ne3A_524 : vector<16xi1>
      %and3A_526 = arith.andi %and3A_525, %lt3A_40 : vector<16xi1>
      %jit3A_527 = arith.constant 0.000000e+00 : f32
      %broadcast_in_dim3A_528 = vector.broadcast %jit3A_527 : f32 to vector<16xf32>
      %select_n3A_529 = arith.select %and3A_526, %get3A_513, %broadcast_in_dim3A_528 : vector<16xi1>, vector<16xf32>
      %add3A_530 = arith.addf %add3A_505, %select_n3A_529 : vector<16xf32>
      %reduce_sum3A = arith.constant true
      %reduce_sum3A_531 = vector.broadcast %reduce_sum3A : i1 to vector<16xi1>
      %reduce_sum3A_532 = tpu.scan <sum>, %add3A_530 masked %reduce_sum3A_531 : vector<16xf32>, vector<16xi1> -> vector<16xf32>
      %reduce_sum3A_533 = vector.extract %reduce_sum3A_532[15] : f32 from vector<16xf32>
      %broadcast_in_dim3A_534 = arith.constant 0 : i32
      %broadcast_in_dim3A_535 = vector.broadcast %broadcast_in_dim3A_534 : i32 to vector<16xi32>
      %add3A_536 = vector.broadcast %scan3A_90 : i32 to vector<16xi32>
      %add3A_537 = arith.addi %broadcast_in_dim3A_535, %add3A_536 : vector<16xi32>
      %broadcast_in_dim3A_538 = vector.broadcast %reduce_sum3A_533 : f32 to vector<16xf32>
      %eq3A_539 = arith.constant 0 : i32
      %eq3A_540 = vector.broadcast %eq3A_539 : i32 to vector<16xi32>
      %eq3A_541 = arith.cmpi eq, %iota3A, %eq3A_540 : vector<16xi32>
      tpu.vector_store_idx %arg8[%add3A_537], %broadcast_in_dim3A_538 masked %eq3A_541 : memref<32xf32, #tpu.memory_space<vmem>>[vector<16xi32>], vector<16xf32>, vector<16xi1>
    }
    %scan3A_75 = arith.constant 8 : i32
    "tpu.trace_stop"() : () -> ()
    "tpu.trace_start"() <{level = 10 : i32, message = "gather_wait"}> : () -> ()
    %dma_wait3A_76 = arith.constant 4800 : i32
    %dma_wait3A_77 = tpu.memref_slice %arg6[%dma_wait3A_76] : memref<6416xf32, #tpu.memory_space<vmem>> -> memref<1600xf32, #tpu.memory_space<vmem>>
    %dma_wait3A_78 = arith.constant 4800 : i32
    %dma_wait3A_79 = tpu.memref_slice %arg5[%dma_wait3A_78] : memref<6416xi32, #tpu.memory_space<vmem>> -> memref<1600xi32, #tpu.memory_space<vmem>>
    %dma_wait3A_80 = arith.constant 0 : i32
    %dma_wait3A_81 = tpu.memref_slice %arg9[%dma_wait3A_80] : memref<100000xf32, #tpu.memory_space<vmem_shared>> -> memref<100000xf32, #tpu.memory_space<vmem_shared>>
    tpu.wait_indirect_dma semaphore(%arg11 : memref<!tpu.dma_semaphore, #tpu.memory_space<semaphore_mem>>) src(%dma_wait3A_81 : memref<100000xf32, #tpu.memory_space<vmem_shared>>) dst(%dma_wait3A_77 : memref<1600xf32, #tpu.memory_space<vmem>>)
    "tpu.trace_stop"() : () -> ()
    "tpu.trace_start"() <{level = 10 : i32, message = "dedup_compute"}> : () -> ()
    %scan3A_82 = arith.constant 0 : i32
    %scan3A_83 = arith.constant 24 : i32
    %scan3A_84 = arith.constant 8 : i32
    %scan3A_85 = arith.addi %scan3A_83, %scan3A_84 : i32
    %scan3A_86 = arith.constant 1 : i32
    scf.for %scan3A_90 = %scan3A_83 to %scan3A_85 step %scan3A_86  : i32 {
      %mul3A_91 = arith.constant 200 : i32
      %mul3A_92 = arith.muli %scan3A_90, %mul3A_91 : i32
      %add3A_93 = arith.constant 0 : i32
      %add3A_94 = arith.addi %mul3A_92, %add3A_93 : i32
      %get3A = arith.index_cast %add3A_94 : i32 to index
      %get3A_95 = tpu.vector_load %arg5[%get3A] {strides = array<i32>} : memref<6416xi32, #tpu.memory_space<vmem>>, vector<16xi32>,
      %mul3A_96 = arith.constant 256 : i32
      %mul3A_97 = arith.muli %scan3A_90, %mul3A_96 : i32
      %add3A_98 = arith.constant 0 : i32
      %add3A_99 = arith.addi %mul3A_97, %add3A_98 : i32
      %add3A_100 = vector.broadcast %add3A_99 : i32 to vector<16xi32>
      %add3A_101 = arith.addi %iota3A, %add3A_100 : vector<16xi32>
      tpu.vector_store_idx %arg7[%get3A_95], %add3A_101 : memref<100000xi32, #tpu.memory_space<vmem>>[vector<16xi32>], vector<16xi32>,
      %add3A_102 = arith.constant 16 : i32
      %add3A_103 = arith.addi %mul3A_92, %add3A_102 : i32
      %get3A_104 = arith.index_cast %add3A_103 : i32 to index
      %get3A_105 = tpu.vector_load %arg5[%get3A_104] {strides = array<i32>} : memref<6416xi32, #tpu.memory_space<vmem>>, vector<16xi32>,
      %mul3A_106 = arith.constant 256 : i32
      %mul3A_107 = arith.muli %scan3A_90, %mul3A_106 : i32
      %add3A_108 = arith.constant 16 : i32
      %add3A_109 = arith.addi %mul3A_107, %add3A_108 : i32
      %add3A_110 = vector.broadcast %add3A_109 : i32 to vector<16xi32>
      %add3A_111 = arith.addi %iota3A, %add3A_110 : vector<16xi32>
      tpu.vector_store_idx %arg7[%get3A_105], %add3A_111 : memref<100000xi32, #tpu.memory_space<vmem>>[vector<16xi32>], vector<16xi32>,
      %add3A_112 = arith.constant 32 : i32
      %add3A_113 = arith.addi %mul3A_92, %add3A_112 : i32
      %get3A_114 = arith.index_cast %add3A_113 : i32 to index
      %get3A_115 = tpu.vector_load %arg5[%get3A_114] {strides = array<i32>} : memref<6416xi32, #tpu.memory_space<vmem>>, vector<16xi32>,
      %mul3A_116 = arith.constant 256 : i32
      %mul3A_117 = arith.muli %scan3A_90, %mul3A_116 : i32
      %add3A_118 = arith.constant 32 : i32
      %add3A_119 = arith.addi %mul3A_117, %add3A_118 : i32
      %add3A_120 = vector.broadcast %add3A_119 : i32 to vector<16xi32>
      %add3A_121 = arith.addi %iota3A, %add3A_120 : vector<16xi32>
      tpu.vector_store_idx %arg7[%get3A_115], %add3A_121 : memref<100000xi32, #tpu.memory_space<vmem>>[vector<16xi32>], vector<16xi32>,
      %add3A_122 = arith.constant 48 : i32
      %add3A_123 = arith.addi %mul3A_92, %add3A_122 : i32
      %get3A_124 = arith.index_cast %add3A_123 : i32 to index
      %get3A_125 = tpu.vector_load %arg5[%get3A_124] {strides = array<i32>} : memref<6416xi32, #tpu.memory_space<vmem>>, vector<16xi32>,
      %mul3A_126 = arith.constant 256 : i32
      %mul3A_127 = arith.muli %scan3A_90, %mul3A_126 : i32
      %add3A_128 = arith.constant 48 : i32
      %add3A_129 = arith.addi %mul3A_127, %add3A_128 : i32
      %add3A_130 = vector.broadcast %add3A_129 : i32 to vector<16xi32>
      %add3A_131 = arith.addi %iota3A, %add3A_130 : vector<16xi32>
      tpu.vector_store_idx %arg7[%get3A_125], %add3A_131 : memref<100000xi32, #tpu.memory_space<vmem>>[vector<16xi32>], vector<16xi32>,
      %add3A_132 = arith.constant 64 : i32
      %add3A_133 = arith.addi %mul3A_92, %add3A_132 : i32
      %get3A_134 = arith.index_cast %add3A_133 : i32 to index
      %get3A_135 = tpu.vector_load %arg5[%get3A_134] {strides = array<i32>} : memref<6416xi32, #tpu.memory_space<vmem>>, vector<16xi32>,
      %mul3A_136 = arith.constant 256 : i32
      %mul3A_137 = arith.muli %scan3A_90, %mul3A_136 : i32
      %add3A_138 = arith.constant 64 : i32
      %add3A_139 = arith.addi %mul3A_137, %add3A_138 : i32
      %add3A_140 = vector.broadcast %add3A_139 : i32 to vector<16xi32>
      %add3A_141 = arith.addi %iota3A, %add3A_140 : vector<16xi32>
      tpu.vector_store_idx %arg7[%get3A_135], %add3A_141 : memref<100000xi32, #tpu.memory_space<vmem>>[vector<16xi32>], vector<16xi32>,
      %add3A_142 = arith.constant 80 : i32
      %add3A_143 = arith.addi %mul3A_92, %add3A_142 : i32
      %get3A_144 = arith.index_cast %add3A_143 : i32 to index
      %get3A_145 = tpu.vector_load %arg5[%get3A_144] {strides = array<i32>} : memref<6416xi32, #tpu.memory_space<vmem>>, vector<16xi32>,
      %mul3A_146 = arith.constant 256 : i32
      %mul3A_147 = arith.muli %scan3A_90, %mul3A_146 : i32
      %add3A_148 = arith.constant 80 : i32
      %add3A_149 = arith.addi %mul3A_147, %add3A_148 : i32
      %add3A_150 = vector.broadcast %add3A_149 : i32 to vector<16xi32>
      %add3A_151 = arith.addi %iota3A, %add3A_150 : vector<16xi32>
      tpu.vector_store_idx %arg7[%get3A_145], %add3A_151 : memref<100000xi32, #tpu.memory_space<vmem>>[vector<16xi32>], vector<16xi32>,
      %add3A_152 = arith.constant 96 : i32
      %add3A_153 = arith.addi %mul3A_92, %add3A_152 : i32
      %get3A_154 = arith.index_cast %add3A_153 : i32 to index
      %get3A_155 = tpu.vector_load %arg5[%get3A_154] {strides = array<i32>} : memref<6416xi32, #tpu.memory_space<vmem>>, vector<16xi32>,
      %mul3A_156 = arith.constant 256 : i32
      %mul3A_157 = arith.muli %scan3A_90, %mul3A_156 : i32
      %add3A_158 = arith.constant 96 : i32
      %add3A_159 = arith.addi %mul3A_157, %add3A_158 : i32
      %add3A_160 = vector.broadcast %add3A_159 : i32 to vector<16xi32>
      %add3A_161 = arith.addi %iota3A, %add3A_160 : vector<16xi32>
      tpu.vector_store_idx %arg7[%get3A_155], %add3A_161 : memref<100000xi32, #tpu.memory_space<vmem>>[vector<16xi32>], vector<16xi32>,
      %add3A_162 = arith.constant 112 : i32
      %add3A_163 = arith.addi %mul3A_92, %add3A_162 : i32
      %get3A_164 = arith.index_cast %add3A_163 : i32 to index
      %get3A_165 = tpu.vector_load %arg5[%get3A_164] {strides = array<i32>} : memref<6416xi32, #tpu.memory_space<vmem>>, vector<16xi32>,
      %mul3A_166 = arith.constant 256 : i32
      %mul3A_167 = arith.muli %scan3A_90, %mul3A_166 : i32
      %add3A_168 = arith.constant 112 : i32
      %add3A_169 = arith.addi %mul3A_167, %add3A_168 : i32
      %add3A_170 = vector.broadcast %add3A_169 : i32 to vector<16xi32>
      %add3A_171 = arith.addi %iota3A, %add3A_170 : vector<16xi32>
      tpu.vector_store_idx %arg7[%get3A_165], %add3A_171 : memref<100000xi32, #tpu.memory_space<vmem>>[vector<16xi32>], vector<16xi32>,
      %add3A_172 = arith.constant 128 : i32
      %add3A_173 = arith.addi %mul3A_92, %add3A_172 : i32
      %get3A_174 = arith.index_cast %add3A_173 : i32 to index
      %get3A_175 = tpu.vector_load %arg5[%get3A_174] {strides = array<i32>} : memref<6416xi32, #tpu.memory_space<vmem>>, vector<16xi32>,
      %mul3A_176 = arith.constant 256 : i32
      %mul3A_177 = arith.muli %scan3A_90, %mul3A_176 : i32
      %add3A_178 = arith.constant 128 : i32
      %add3A_179 = arith.addi %mul3A_177, %add3A_178 : i32
      %add3A_180 = vector.broadcast %add3A_179 : i32 to vector<16xi32>
      %add3A_181 = arith.addi %iota3A, %add3A_180 : vector<16xi32>
      tpu.vector_store_idx %arg7[%get3A_175], %add3A_181 : memref<100000xi32, #tpu.memory_space<vmem>>[vector<16xi32>], vector<16xi32>,
      %add3A_182 = arith.constant 144 : i32
      %add3A_183 = arith.addi %mul3A_92, %add3A_182 : i32
      %get3A_184 = arith.index_cast %add3A_183 : i32 to index
      %get3A_185 = tpu.vector_load %arg5[%get3A_184] {strides = array<i32>} : memref<6416xi32, #tpu.memory_space<vmem>>, vector<16xi32>,
      %mul3A_186 = arith.constant 256 : i32
      %mul3A_187 = arith.muli %scan3A_90, %mul3A_186 : i32
      %add3A_188 = arith.constant 144 : i32
      %add3A_189 = arith.addi %mul3A_187, %add3A_188 : i32
      %add3A_190 = vector.broadcast %add3A_189 : i32 to vector<16xi32>
      %add3A_191 = arith.addi %iota3A, %add3A_190 : vector<16xi32>
      tpu.vector_store_idx %arg7[%get3A_185], %add3A_191 : memref<100000xi32, #tpu.memory_space<vmem>>[vector<16xi32>], vector<16xi32>,
      %add3A_192 = arith.constant 160 : i32
      %add3A_193 = arith.addi %mul3A_92, %add3A_192 : i32
      %get3A_194 = arith.index_cast %add3A_193 : i32 to index
      %get3A_195 = tpu.vector_load %arg5[%get3A_194] {strides = array<i32>} : memref<6416xi32, #tpu.memory_space<vmem>>, vector<16xi32>,
      %mul3A_196 = arith.constant 256 : i32
      %mul3A_197 = arith.muli %scan3A_90, %mul3A_196 : i32
      %add3A_198 = arith.constant 160 : i32
      %add3A_199 = arith.addi %mul3A_197, %add3A_198 : i32
      %add3A_200 = vector.broadcast %add3A_199 : i32 to vector<16xi32>
      %add3A_201 = arith.addi %iota3A, %add3A_200 : vector<16xi32>
      tpu.vector_store_idx %arg7[%get3A_195], %add3A_201 : memref<100000xi32, #tpu.memory_space<vmem>>[vector<16xi32>], vector<16xi32>,
      %add3A_202 = arith.constant 176 : i32
      %add3A_203 = arith.addi %mul3A_92, %add3A_202 : i32
      %get3A_204 = arith.index_cast %add3A_203 : i32 to index
      %get3A_205 = tpu.vector_load %arg5[%get3A_204] {strides = array<i32>} : memref<6416xi32, #tpu.memory_space<vmem>>, vector<16xi32>,
      %mul3A_206 = arith.constant 256 : i32
      %mul3A_207 = arith.muli %scan3A_90, %mul3A_206 : i32
      %add3A_208 = arith.constant 176 : i32
      %add3A_209 = arith.addi %mul3A_207, %add3A_208 : i32
      %add3A_210 = vector.broadcast %add3A_209 : i32 to vector<16xi32>
      %add3A_211 = arith.addi %iota3A, %add3A_210 : vector<16xi32>
      tpu.vector_store_idx %arg7[%get3A_205], %add3A_211 : memref<100000xi32, #tpu.memory_space<vmem>>[vector<16xi32>], vector<16xi32>,
      %add3A_212 = arith.constant 192 : i32
      %add3A_213 = arith.addi %mul3A_92, %add3A_212 : i32
      %get3A_214 = arith.index_cast %add3A_213 : i32 to index
      %get3A_215 = tpu.vector_load %arg5[%get3A_214] {strides = array<i32>} : memref<6416xi32, #tpu.memory_space<vmem>>, vector<16xi32>,
      %mul3A_216 = arith.constant 256 : i32
      %mul3A_217 = arith.muli %scan3A_90, %mul3A_216 : i32
      %add3A_218 = arith.constant 192 : i32
      %add3A_219 = arith.addi %mul3A_217, %add3A_218 : i32
      %add3A_220 = vector.broadcast %add3A_219 : i32 to vector<16xi32>
      %add3A_221 = arith.addi %iota3A, %add3A_220 : vector<16xi32>
      tpu.vector_store_idx %arg7[%get3A_215], %add3A_221 masked %lt3A_40 : memref<100000xi32, #tpu.memory_space<vmem>>[vector<16xi32>], vector<16xi32>, vector<16xi1>
      %broadcast_in_dim3A = arith.constant 0.000000e+00 : f32
      %broadcast_in_dim3A_222 = vector.broadcast %broadcast_in_dim3A : f32 to vector<16xf32>
      %add3A_223 = arith.constant 0 : i32
      %add3A_224 = arith.addi %mul3A_92, %add3A_223 : i32
      %get3A_225 = arith.index_cast %add3A_224 : i32 to index
      %get3A_226 = tpu.vector_load %arg5[%get3A_225] {strides = array<i32>} : memref<6416xi32, #tpu.memory_space<vmem>>, vector<16xi32>,
      %add3A_227 = arith.constant 0 : i32
      %add3A_228 = arith.addi %mul3A_92, %add3A_227 : i32
      %get3A_229 = arith.index_cast %add3A_228 : i32 to index
      %get3A_230 = tpu.vector_load %arg6[%get3A_229] {strides = array<i32>} : memref<6416xf32, #tpu.memory_space<vmem>>, vector<16xf32>,
      %gather3A = tpu.vector_load_idx %arg7[%get3A_226] : memref<100000xi32, #tpu.memory_space<vmem>>[vector<16xi32>], vector<16xi32>,
      %mul3A_231 = arith.constant 256 : i32
      %mul3A_232 = arith.muli %scan3A_90, %mul3A_231 : i32
      %add3A_233 = arith.constant 0 : i32
      %add3A_234 = arith.addi %mul3A_232, %add3A_233 : i32
      %add3A_235 = vector.broadcast %add3A_234 : i32 to vector<16xi32>
      %add3A_236 = arith.addi %iota3A, %add3A_235 : vector<16xi32>
      %eq3A_237 = arith.cmpi eq, %gather3A, %add3A_236 : vector<16xi32>
      %ne3A = arith.constant 1 : i32
      %ne3A_238 = vector.broadcast %ne3A : i32 to vector<16xi32>
      %ne3A_239 = arith.cmpi ne, %get3A_226, %ne3A_238 : vector<16xi32>
      %and3A = arith.andi %eq3A_237, %ne3A_239 : vector<16xi1>
      %jit3A = arith.constant 0.000000e+00 : f32
      %broadcast_in_dim3A_240 = vector.broadcast %jit3A : f32 to vector<16xf32>
      %select_n3A = arith.select %and3A, %get3A_230, %broadcast_in_dim3A_240 : vector<16xi1>, vector<16xf32>
      %add3A_241 = arith.addf %broadcast_in_dim3A_222, %select_n3A : vector<16xf32>
      %add3A_242 = arith.constant 16 : i32
      %add3A_243 = arith.addi %mul3A_92, %add3A_242 : i32
      %get3A_244 = arith.index_cast %add3A_243 : i32 to index
      %get3A_245 = tpu.vector_load %arg5[%get3A_244] {strides = array<i32>} : memref<6416xi32, #tpu.memory_space<vmem>>, vector<16xi32>,
      %add3A_246 = arith.constant 16 : i32
      %add3A_247 = arith.addi %mul3A_92, %add3A_246 : i32
      %get3A_248 = arith.index_cast %add3A_247 : i32 to index
      %get3A_249 = tpu.vector_load %arg6[%get3A_248] {strides = array<i32>} : memref<6416xf32, #tpu.memory_space<vmem>>, vector<16xf32>,
      %gather3A_250 = tpu.vector_load_idx %arg7[%get3A_245] : memref<100000xi32, #tpu.memory_space<vmem>>[vector<16xi32>], vector<16xi32>,
      %mul3A_251 = arith.constant 256 : i32
      %mul3A_252 = arith.muli %scan3A_90, %mul3A_251 : i32
      %add3A_253 = arith.constant 16 : i32
      %add3A_254 = arith.addi %mul3A_252, %add3A_253 : i32
      %add3A_255 = vector.broadcast %add3A_254 : i32 to vector<16xi32>
      %add3A_256 = arith.addi %iota3A, %add3A_255 : vector<16xi32>
      %eq3A_257 = arith.cmpi eq, %gather3A_250, %add3A_256 : vector<16xi32>
      %ne3A_258 = arith.constant 1 : i32
      %ne3A_259 = vector.broadcast %ne3A_258 : i32 to vector<16xi32>
      %ne3A_260 = arith.cmpi ne, %get3A_245, %ne3A_259 : vector<16xi32>
      %and3A_261 = arith.andi %eq3A_257, %ne3A_260 : vector<16xi1>
      %jit3A_262 = arith.constant 0.000000e+00 : f32
      %broadcast_in_dim3A_263 = vector.broadcast %jit3A_262 : f32 to vector<16xf32>
      %select_n3A_264 = arith.select %and3A_261, %get3A_249, %broadcast_in_dim3A_263 : vector<16xi1>, vector<16xf32>
      %add3A_265 = arith.addf %add3A_241, %select_n3A_264 : vector<16xf32>
      %add3A_266 = arith.constant 32 : i32
      %add3A_267 = arith.addi %mul3A_92, %add3A_266 : i32
      %get3A_268 = arith.index_cast %add3A_267 : i32 to index
      %get3A_269 = tpu.vector_load %arg5[%get3A_268] {strides = array<i32>} : memref<6416xi32, #tpu.memory_space<vmem>>, vector<16xi32>,
      %add3A_270 = arith.constant 32 : i32
      %add3A_271 = arith.addi %mul3A_92, %add3A_270 : i32
      %get3A_272 = arith.index_cast %add3A_271 : i32 to index
      %get3A_273 = tpu.vector_load %arg6[%get3A_272] {strides = array<i32>} : memref<6416xf32, #tpu.memory_space<vmem>>, vector<16xf32>,
      %gather3A_274 = tpu.vector_load_idx %arg7[%get3A_269] : memref<100000xi32, #tpu.memory_space<vmem>>[vector<16xi32>], vector<16xi32>,
      %mul3A_275 = arith.constant 256 : i32
      %mul3A_276 = arith.muli %scan3A_90, %mul3A_275 : i32
      %add3A_277 = arith.constant 32 : i32
      %add3A_278 = arith.addi %mul3A_276, %add3A_277 : i32
      %add3A_279 = vector.broadcast %add3A_278 : i32 to vector<16xi32>
      %add3A_280 = arith.addi %iota3A, %add3A_279 : vector<16xi32>
      %eq3A_281 = arith.cmpi eq, %gather3A_274, %add3A_280 : vector<16xi32>
      %ne3A_282 = arith.constant 1 : i32
      %ne3A_283 = vector.broadcast %ne3A_282 : i32 to vector<16xi32>
      %ne3A_284 = arith.cmpi ne, %get3A_269, %ne3A_283 : vector<16xi32>
      %and3A_285 = arith.andi %eq3A_281, %ne3A_284 : vector<16xi1>
      %jit3A_286 = arith.constant 0.000000e+00 : f32
      %broadcast_in_dim3A_287 = vector.broadcast %jit3A_286 : f32 to vector<16xf32>
      %select_n3A_288 = arith.select %and3A_285, %get3A_273, %broadcast_in_dim3A_287 : vector<16xi1>, vector<16xf32>
      %add3A_289 = arith.addf %add3A_265, %select_n3A_288 : vector<16xf32>
      %add3A_290 = arith.constant 48 : i32
      %add3A_291 = arith.addi %mul3A_92, %add3A_290 : i32
      %get3A_292 = arith.index_cast %add3A_291 : i32 to index
      %get3A_293 = tpu.vector_load %arg5[%get3A_292] {strides = array<i32>} : memref<6416xi32, #tpu.memory_space<vmem>>, vector<16xi32>,
      %add3A_294 = arith.constant 48 : i32
      %add3A_295 = arith.addi %mul3A_92, %add3A_294 : i32
      %get3A_296 = arith.index_cast %add3A_295 : i32 to index
      %get3A_297 = tpu.vector_load %arg6[%get3A_296] {strides = array<i32>} : memref<6416xf32, #tpu.memory_space<vmem>>, vector<16xf32>,
      %gather3A_298 = tpu.vector_load_idx %arg7[%get3A_293] : memref<100000xi32, #tpu.memory_space<vmem>>[vector<16xi32>], vector<16xi32>,
      %mul3A_299 = arith.constant 256 : i32
      %mul3A_300 = arith.muli %scan3A_90, %mul3A_299 : i32
      %add3A_301 = arith.constant 48 : i32
      %add3A_302 = arith.addi %mul3A_300, %add3A_301 : i32
      %add3A_303 = vector.broadcast %add3A_302 : i32 to vector<16xi32>
      %add3A_304 = arith.addi %iota3A, %add3A_303 : vector<16xi32>
      %eq3A_305 = arith.cmpi eq, %gather3A_298, %add3A_304 : vector<16xi32>
      %ne3A_306 = arith.constant 1 : i32
      %ne3A_307 = vector.broadcast %ne3A_306 : i32 to vector<16xi32>
      %ne3A_308 = arith.cmpi ne, %get3A_293, %ne3A_307 : vector<16xi32>
      %and3A_309 = arith.andi %eq3A_305, %ne3A_308 : vector<16xi1>
      %jit3A_310 = arith.constant 0.000000e+00 : f32
      %broadcast_in_dim3A_311 = vector.broadcast %jit3A_310 : f32 to vector<16xf32>
      %select_n3A_312 = arith.select %and3A_309, %get3A_297, %broadcast_in_dim3A_311 : vector<16xi1>, vector<16xf32>
      %add3A_313 = arith.addf %add3A_289, %select_n3A_312 : vector<16xf32>
      %add3A_314 = arith.constant 64 : i32
      %add3A_315 = arith.addi %mul3A_92, %add3A_314 : i32
      %get3A_316 = arith.index_cast %add3A_315 : i32 to index
      %get3A_317 = tpu.vector_load %arg5[%get3A_316] {strides = array<i32>} : memref<6416xi32, #tpu.memory_space<vmem>>, vector<16xi32>,
      %add3A_318 = arith.constant 64 : i32
      %add3A_319 = arith.addi %mul3A_92, %add3A_318 : i32
      %get3A_320 = arith.index_cast %add3A_319 : i32 to index
      %get3A_321 = tpu.vector_load %arg6[%get3A_320] {strides = array<i32>} : memref<6416xf32, #tpu.memory_space<vmem>>, vector<16xf32>,
      %gather3A_322 = tpu.vector_load_idx %arg7[%get3A_317] : memref<100000xi32, #tpu.memory_space<vmem>>[vector<16xi32>], vector<16xi32>,
      %mul3A_323 = arith.constant 256 : i32
      %mul3A_324 = arith.muli %scan3A_90, %mul3A_323 : i32
      %add3A_325 = arith.constant 64 : i32
      %add3A_326 = arith.addi %mul3A_324, %add3A_325 : i32
      %add3A_327 = vector.broadcast %add3A_326 : i32 to vector<16xi32>
      %add3A_328 = arith.addi %iota3A, %add3A_327 : vector<16xi32>
      %eq3A_329 = arith.cmpi eq, %gather3A_322, %add3A_328 : vector<16xi32>
      %ne3A_330 = arith.constant 1 : i32
      %ne3A_331 = vector.broadcast %ne3A_330 : i32 to vector<16xi32>
      %ne3A_332 = arith.cmpi ne, %get3A_317, %ne3A_331 : vector<16xi32>
      %and3A_333 = arith.andi %eq3A_329, %ne3A_332 : vector<16xi1>
      %jit3A_334 = arith.constant 0.000000e+00 : f32
      %broadcast_in_dim3A_335 = vector.broadcast %jit3A_334 : f32 to vector<16xf32>
      %select_n3A_336 = arith.select %and3A_333, %get3A_321, %broadcast_in_dim3A_335 : vector<16xi1>, vector<16xf32>
      %add3A_337 = arith.addf %add3A_313, %select_n3A_336 : vector<16xf32>
      %add3A_338 = arith.constant 80 : i32
      %add3A_339 = arith.addi %mul3A_92, %add3A_338 : i32
      %get3A_340 = arith.index_cast %add3A_339 : i32 to index
      %get3A_341 = tpu.vector_load %arg5[%get3A_340] {strides = array<i32>} : memref<6416xi32, #tpu.memory_space<vmem>>, vector<16xi32>,
      %add3A_342 = arith.constant 80 : i32
      %add3A_343 = arith.addi %mul3A_92, %add3A_342 : i32
      %get3A_344 = arith.index_cast %add3A_343 : i32 to index
      %get3A_345 = tpu.vector_load %arg6[%get3A_344] {strides = array<i32>} : memref<6416xf32, #tpu.memory_space<vmem>>, vector<16xf32>,
      %gather3A_346 = tpu.vector_load_idx %arg7[%get3A_341] : memref<100000xi32, #tpu.memory_space<vmem>>[vector<16xi32>], vector<16xi32>,
      %mul3A_347 = arith.constant 256 : i32
      %mul3A_348 = arith.muli %scan3A_90, %mul3A_347 : i32
      %add3A_349 = arith.constant 80 : i32
      %add3A_350 = arith.addi %mul3A_348, %add3A_349 : i32
      %add3A_351 = vector.broadcast %add3A_350 : i32 to vector<16xi32>
      %add3A_352 = arith.addi %iota3A, %add3A_351 : vector<16xi32>
      %eq3A_353 = arith.cmpi eq, %gather3A_346, %add3A_352 : vector<16xi32>
      %ne3A_354 = arith.constant 1 : i32
      %ne3A_355 = vector.broadcast %ne3A_354 : i32 to vector<16xi32>
      %ne3A_356 = arith.cmpi ne, %get3A_341, %ne3A_355 : vector<16xi32>
      %and3A_357 = arith.andi %eq3A_353, %ne3A_356 : vector<16xi1>
      %jit3A_358 = arith.constant 0.000000e+00 : f32
      %broadcast_in_dim3A_359 = vector.broadcast %jit3A_358 : f32 to vector<16xf32>
      %select_n3A_360 = arith.select %and3A_357, %get3A_345, %broadcast_in_dim3A_359 : vector<16xi1>, vector<16xf32>
      %add3A_361 = arith.addf %add3A_337, %select_n3A_360 : vector<16xf32>
      %add3A_362 = arith.constant 96 : i32
      %add3A_363 = arith.addi %mul3A_92, %add3A_362 : i32
      %get3A_364 = arith.index_cast %add3A_363 : i32 to index
      %get3A_365 = tpu.vector_load %arg5[%get3A_364] {strides = array<i32>} : memref<6416xi32, #tpu.memory_space<vmem>>, vector<16xi32>,
      %add3A_366 = arith.constant 96 : i32
      %add3A_367 = arith.addi %mul3A_92, %add3A_366 : i32
      %get3A_368 = arith.index_cast %add3A_367 : i32 to index
      %get3A_369 = tpu.vector_load %arg6[%get3A_368] {strides = array<i32>} : memref<6416xf32, #tpu.memory_space<vmem>>, vector<16xf32>,
      %gather3A_370 = tpu.vector_load_idx %arg7[%get3A_365] : memref<100000xi32, #tpu.memory_space<vmem>>[vector<16xi32>], vector<16xi32>,
      %mul3A_371 = arith.constant 256 : i32
      %mul3A_372 = arith.muli %scan3A_90, %mul3A_371 : i32
      %add3A_373 = arith.constant 96 : i32
      %add3A_374 = arith.addi %mul3A_372, %add3A_373 : i32
      %add3A_375 = vector.broadcast %add3A_374 : i32 to vector<16xi32>
      %add3A_376 = arith.addi %iota3A, %add3A_375 : vector<16xi32>
      %eq3A_377 = arith.cmpi eq, %gather3A_370, %add3A_376 : vector<16xi32>
      %ne3A_378 = arith.constant 1 : i32
      %ne3A_379 = vector.broadcast %ne3A_378 : i32 to vector<16xi32>
      %ne3A_380 = arith.cmpi ne, %get3A_365, %ne3A_379 : vector<16xi32>
      %and3A_381 = arith.andi %eq3A_377, %ne3A_380 : vector<16xi1>
      %jit3A_382 = arith.constant 0.000000e+00 : f32
      %broadcast_in_dim3A_383 = vector.broadcast %jit3A_382 : f32 to vector<16xf32>
      %select_n3A_384 = arith.select %and3A_381, %get3A_369, %broadcast_in_dim3A_383 : vector<16xi1>, vector<16xf32>
      %add3A_385 = arith.addf %add3A_361, %select_n3A_384 : vector<16xf32>
      %add3A_386 = arith.constant 112 : i32
      %add3A_387 = arith.addi %mul3A_92, %add3A_386 : i32
      %get3A_388 = arith.index_cast %add3A_387 : i32 to index
      %get3A_389 = tpu.vector_load %arg5[%get3A_388] {strides = array<i32>} : memref<6416xi32, #tpu.memory_space<vmem>>, vector<16xi32>,
      %add3A_390 = arith.constant 112 : i32
      %add3A_391 = arith.addi %mul3A_92, %add3A_390 : i32
      %get3A_392 = arith.index_cast %add3A_391 : i32 to index
      %get3A_393 = tpu.vector_load %arg6[%get3A_392] {strides = array<i32>} : memref<6416xf32, #tpu.memory_space<vmem>>, vector<16xf32>,
      %gather3A_394 = tpu.vector_load_idx %arg7[%get3A_389] : memref<100000xi32, #tpu.memory_space<vmem>>[vector<16xi32>], vector<16xi32>,
      %mul3A_395 = arith.constant 256 : i32
      %mul3A_396 = arith.muli %scan3A_90, %mul3A_395 : i32
      %add3A_397 = arith.constant 112 : i32
      %add3A_398 = arith.addi %mul3A_396, %add3A_397 : i32
      %add3A_399 = vector.broadcast %add3A_398 : i32 to vector<16xi32>
      %add3A_400 = arith.addi %iota3A, %add3A_399 : vector<16xi32>
      %eq3A_401 = arith.cmpi eq, %gather3A_394, %add3A_400 : vector<16xi32>
      %ne3A_402 = arith.constant 1 : i32
      %ne3A_403 = vector.broadcast %ne3A_402 : i32 to vector<16xi32>
      %ne3A_404 = arith.cmpi ne, %get3A_389, %ne3A_403 : vector<16xi32>
      %and3A_405 = arith.andi %eq3A_401, %ne3A_404 : vector<16xi1>
      %jit3A_406 = arith.constant 0.000000e+00 : f32
      %broadcast_in_dim3A_407 = vector.broadcast %jit3A_406 : f32 to vector<16xf32>
      %select_n3A_408 = arith.select %and3A_405, %get3A_393, %broadcast_in_dim3A_407 : vector<16xi1>, vector<16xf32>
      %add3A_409 = arith.addf %add3A_385, %select_n3A_408 : vector<16xf32>
      %add3A_410 = arith.constant 128 : i32
      %add3A_411 = arith.addi %mul3A_92, %add3A_410 : i32
      %get3A_412 = arith.index_cast %add3A_411 : i32 to index
      %get3A_413 = tpu.vector_load %arg5[%get3A_412] {strides = array<i32>} : memref<6416xi32, #tpu.memory_space<vmem>>, vector<16xi32>,
      %add3A_414 = arith.constant 128 : i32
      %add3A_415 = arith.addi %mul3A_92, %add3A_414 : i32
      %get3A_416 = arith.index_cast %add3A_415 : i32 to index
      %get3A_417 = tpu.vector_load %arg6[%get3A_416] {strides = array<i32>} : memref<6416xf32, #tpu.memory_space<vmem>>, vector<16xf32>,
      %gather3A_418 = tpu.vector_load_idx %arg7[%get3A_413] : memref<100000xi32, #tpu.memory_space<vmem>>[vector<16xi32>], vector<16xi32>,
      %mul3A_419 = arith.constant 256 : i32
      %mul3A_420 = arith.muli %scan3A_90, %mul3A_419 : i32
      %add3A_421 = arith.constant 128 : i32
      %add3A_422 = arith.addi %mul3A_420, %add3A_421 : i32
      %add3A_423 = vector.broadcast %add3A_422 : i32 to vector<16xi32>
      %add3A_424 = arith.addi %iota3A, %add3A_423 : vector<16xi32>
      %eq3A_425 = arith.cmpi eq, %gather3A_418, %add3A_424 : vector<16xi32>
      %ne3A_426 = arith.constant 1 : i32
      %ne3A_427 = vector.broadcast %ne3A_426 : i32 to vector<16xi32>
      %ne3A_428 = arith.cmpi ne, %get3A_413, %ne3A_427 : vector<16xi32>
      %and3A_429 = arith.andi %eq3A_425, %ne3A_428 : vector<16xi1>
      %jit3A_430 = arith.constant 0.000000e+00 : f32
      %broadcast_in_dim3A_431 = vector.broadcast %jit3A_430 : f32 to vector<16xf32>
      %select_n3A_432 = arith.select %and3A_429, %get3A_417, %broadcast_in_dim3A_431 : vector<16xi1>, vector<16xf32>
      %add3A_433 = arith.addf %add3A_409, %select_n3A_432 : vector<16xf32>
      %add3A_434 = arith.constant 144 : i32
      %add3A_435 = arith.addi %mul3A_92, %add3A_434 : i32
      %get3A_436 = arith.index_cast %add3A_435 : i32 to index
      %get3A_437 = tpu.vector_load %arg5[%get3A_436] {strides = array<i32>} : memref<6416xi32, #tpu.memory_space<vmem>>, vector<16xi32>,
      %add3A_438 = arith.constant 144 : i32
      %add3A_439 = arith.addi %mul3A_92, %add3A_438 : i32
      %get3A_440 = arith.index_cast %add3A_439 : i32 to index
      %get3A_441 = tpu.vector_load %arg6[%get3A_440] {strides = array<i32>} : memref<6416xf32, #tpu.memory_space<vmem>>, vector<16xf32>,
      %gather3A_442 = tpu.vector_load_idx %arg7[%get3A_437] : memref<100000xi32, #tpu.memory_space<vmem>>[vector<16xi32>], vector<16xi32>,
      %mul3A_443 = arith.constant 256 : i32
      %mul3A_444 = arith.muli %scan3A_90, %mul3A_443 : i32
      %add3A_445 = arith.constant 144 : i32
      %add3A_446 = arith.addi %mul3A_444, %add3A_445 : i32
      %add3A_447 = vector.broadcast %add3A_446 : i32 to vector<16xi32>
      %add3A_448 = arith.addi %iota3A, %add3A_447 : vector<16xi32>
      %eq3A_449 = arith.cmpi eq, %gather3A_442, %add3A_448 : vector<16xi32>
      %ne3A_450 = arith.constant 1 : i32
      %ne3A_451 = vector.broadcast %ne3A_450 : i32 to vector<16xi32>
      %ne3A_452 = arith.cmpi ne, %get3A_437, %ne3A_451 : vector<16xi32>
      %and3A_453 = arith.andi %eq3A_449, %ne3A_452 : vector<16xi1>
      %jit3A_454 = arith.constant 0.000000e+00 : f32
      %broadcast_in_dim3A_455 = vector.broadcast %jit3A_454 : f32 to vector<16xf32>
      %select_n3A_456 = arith.select %and3A_453, %get3A_441, %broadcast_in_dim3A_455 : vector<16xi1>, vector<16xf32>
      %add3A_457 = arith.addf %add3A_433, %select_n3A_456 : vector<16xf32>
      %add3A_458 = arith.constant 160 : i32
      %add3A_459 = arith.addi %mul3A_92, %add3A_458 : i32
      %get3A_460 = arith.index_cast %add3A_459 : i32 to index
      %get3A_461 = tpu.vector_load %arg5[%get3A_460] {strides = array<i32>} : memref<6416xi32, #tpu.memory_space<vmem>>, vector<16xi32>,
      %add3A_462 = arith.constant 160 : i32
      %add3A_463 = arith.addi %mul3A_92, %add3A_462 : i32
      %get3A_464 = arith.index_cast %add3A_463 : i32 to index
      %get3A_465 = tpu.vector_load %arg6[%get3A_464] {strides = array<i32>} : memref<6416xf32, #tpu.memory_space<vmem>>, vector<16xf32>,
      %gather3A_466 = tpu.vector_load_idx %arg7[%get3A_461] : memref<100000xi32, #tpu.memory_space<vmem>>[vector<16xi32>], vector<16xi32>,
      %mul3A_467 = arith.constant 256 : i32
      %mul3A_468 = arith.muli %scan3A_90, %mul3A_467 : i32
      %add3A_469 = arith.constant 160 : i32
      %add3A_470 = arith.addi %mul3A_468, %add3A_469 : i32
      %add3A_471 = vector.broadcast %add3A_470 : i32 to vector<16xi32>
      %add3A_472 = arith.addi %iota3A, %add3A_471 : vector<16xi32>
      %eq3A_473 = arith.cmpi eq, %gather3A_466, %add3A_472 : vector<16xi32>
      %ne3A_474 = arith.constant 1 : i32
      %ne3A_475 = vector.broadcast %ne3A_474 : i32 to vector<16xi32>
      %ne3A_476 = arith.cmpi ne, %get3A_461, %ne3A_475 : vector<16xi32>
      %and3A_477 = arith.andi %eq3A_473, %ne3A_476 : vector<16xi1>
      %jit3A_478 = arith.constant 0.000000e+00 : f32
      %broadcast_in_dim3A_479 = vector.broadcast %jit3A_478 : f32 to vector<16xf32>
      %select_n3A_480 = arith.select %and3A_477, %get3A_465, %broadcast_in_dim3A_479 : vector<16xi1>, vector<16xf32>
      %add3A_481 = arith.addf %add3A_457, %select_n3A_480 : vector<16xf32>
      %add3A_482 = arith.constant 176 : i32
      %add3A_483 = arith.addi %mul3A_92, %add3A_482 : i32
      %get3A_484 = arith.index_cast %add3A_483 : i32 to index
      %get3A_485 = tpu.vector_load %arg5[%get3A_484] {strides = array<i32>} : memref<6416xi32, #tpu.memory_space<vmem>>, vector<16xi32>,
      %add3A_486 = arith.constant 176 : i32
      %add3A_487 = arith.addi %mul3A_92, %add3A_486 : i32
      %get3A_488 = arith.index_cast %add3A_487 : i32 to index
      %get3A_489 = tpu.vector_load %arg6[%get3A_488] {strides = array<i32>} : memref<6416xf32, #tpu.memory_space<vmem>>, vector<16xf32>,
      %gather3A_490 = tpu.vector_load_idx %arg7[%get3A_485] : memref<100000xi32, #tpu.memory_space<vmem>>[vector<16xi32>], vector<16xi32>,
      %mul3A_491 = arith.constant 256 : i32
      %mul3A_492 = arith.muli %scan3A_90, %mul3A_491 : i32
      %add3A_493 = arith.constant 176 : i32
      %add3A_494 = arith.addi %mul3A_492, %add3A_493 : i32
      %add3A_495 = vector.broadcast %add3A_494 : i32 to vector<16xi32>
      %add3A_496 = arith.addi %iota3A, %add3A_495 : vector<16xi32>
      %eq3A_497 = arith.cmpi eq, %gather3A_490, %add3A_496 : vector<16xi32>
      %ne3A_498 = arith.constant 1 : i32
      %ne3A_499 = vector.broadcast %ne3A_498 : i32 to vector<16xi32>
      %ne3A_500 = arith.cmpi ne, %get3A_485, %ne3A_499 : vector<16xi32>
      %and3A_501 = arith.andi %eq3A_497, %ne3A_500 : vector<16xi1>
      %jit3A_502 = arith.constant 0.000000e+00 : f32
      %broadcast_in_dim3A_503 = vector.broadcast %jit3A_502 : f32 to vector<16xf32>
      %select_n3A_504 = arith.select %and3A_501, %get3A_489, %broadcast_in_dim3A_503 : vector<16xi1>, vector<16xf32>
      %add3A_505 = arith.addf %add3A_481, %select_n3A_504 : vector<16xf32>
      %add3A_506 = arith.constant 192 : i32
      %add3A_507 = arith.addi %mul3A_92, %add3A_506 : i32
      %get3A_508 = arith.index_cast %add3A_507 : i32 to index
      %get3A_509 = tpu.vector_load %arg5[%get3A_508] {strides = array<i32>} : memref<6416xi32, #tpu.memory_space<vmem>>, vector<16xi32>,
      %add3A_510 = arith.constant 192 : i32
      %add3A_511 = arith.addi %mul3A_92, %add3A_510 : i32
      %get3A_512 = arith.index_cast %add3A_511 : i32 to index
      %get3A_513 = tpu.vector_load %arg6[%get3A_512] {strides = array<i32>} : memref<6416xf32, #tpu.memory_space<vmem>>, vector<16xf32>,
      %gather3A_514 = tpu.vector_load_idx %arg7[%get3A_509] masked %lt3A_40 : memref<100000xi32, #tpu.memory_space<vmem>>[vector<16xi32>], vector<16xi32>, vector<16xi1>
      %mul3A_515 = arith.constant 256 : i32
      %mul3A_516 = arith.muli %scan3A_90, %mul3A_515 : i32
      %add3A_517 = arith.constant 192 : i32
      %add3A_518 = arith.addi %mul3A_516, %add3A_517 : i32
      %add3A_519 = vector.broadcast %add3A_518 : i32 to vector<16xi32>
      %add3A_520 = arith.addi %iota3A, %add3A_519 : vector<16xi32>
      %eq3A_521 = arith.cmpi eq, %gather3A_514, %add3A_520 : vector<16xi32>
      %ne3A_522 = arith.constant 1 : i32
      %ne3A_523 = vector.broadcast %ne3A_522 : i32 to vector<16xi32>
      %ne3A_524 = arith.cmpi ne, %get3A_509, %ne3A_523 : vector<16xi32>
      %and3A_525 = arith.andi %eq3A_521, %ne3A_524 : vector<16xi1>
      %and3A_526 = arith.andi %and3A_525, %lt3A_40 : vector<16xi1>
      %jit3A_527 = arith.constant 0.000000e+00 : f32
      %broadcast_in_dim3A_528 = vector.broadcast %jit3A_527 : f32 to vector<16xf32>
      %select_n3A_529 = arith.select %and3A_526, %get3A_513, %broadcast_in_dim3A_528 : vector<16xi1>, vector<16xf32>
      %add3A_530 = arith.addf %add3A_505, %select_n3A_529 : vector<16xf32>
      %reduce_sum3A = arith.constant true
      %reduce_sum3A_531 = vector.broadcast %reduce_sum3A : i1 to vector<16xi1>
      %reduce_sum3A_532 = tpu.scan <sum>, %add3A_530 masked %reduce_sum3A_531 : vector<16xf32>, vector<16xi1> -> vector<16xf32>
      %reduce_sum3A_533 = vector.extract %reduce_sum3A_532[15] : f32 from vector<16xf32>
      %broadcast_in_dim3A_534 = arith.constant 0 : i32
      %broadcast_in_dim3A_535 = vector.broadcast %broadcast_in_dim3A_534 : i32 to vector<16xi32>
      %add3A_536 = vector.broadcast %scan3A_90 : i32 to vector<16xi32>
      %add3A_537 = arith.addi %broadcast_in_dim3A_535, %add3A_536 : vector<16xi32>
      %broadcast_in_dim3A_538 = vector.broadcast %reduce_sum3A_533 : f32 to vector<16xf32>
      %eq3A_539 = arith.constant 0 : i32
      %eq3A_540 = vector.broadcast %eq3A_539 : i32 to vector<16xi32>
      %eq3A_541 = arith.cmpi eq, %iota3A, %eq3A_540 : vector<16xi32>
      tpu.vector_store_idx %arg8[%add3A_537], %broadcast_in_dim3A_538 masked %eq3A_541 : memref<32xf32, #tpu.memory_space<vmem>>[vector<16xi32>], vector<16xf32>, vector<16xi1>
    }
    %scan3A_87 = arith.constant 8 : i32
    "tpu.trace_stop"() : () -> ()
    "tpu.trace_start"() <{level = 10 : i32, message = "store_scores"}> : () -> ()
    %mul3A_88 = arith.constant 32 : i32
    %mul3A_89 = arith.muli %add3A, %mul3A_88 : i32
    "tpu.region"() ({
      %run_scoped3A = tpu.sem_alloc : memref<!tpu.dma_semaphore, #tpu.memory_space<semaphore_mem>>
      %dma_start3A_90 = tpu.memref_slice %arg4[%mul3A_89] : memref<1024xf32, #tpu.memory_space<hbm>> -> memref<32xf32, #tpu.memory_space<hbm>>
      %dma_start3A_91 = tpu.memref_slice %arg4[%mul3A_89] : memref<1024xf32, #tpu.memory_space<hbm>> -> memref<32xf32, #tpu.memory_space<hbm>>
      tpu.enqueue_dma source(%arg8 : memref<32xf32, #tpu.memory_space<vmem>>) target(%dma_start3A_91 : memref<32xf32, #tpu.memory_space<hbm>>) target_semaphore(%run_scoped3A : memref<!tpu.dma_semaphore, #tpu.memory_space<semaphore_mem>>)
      %dma_wait3A_92 = tpu.memref_slice %arg4[%mul3A_89] : memref<1024xf32, #tpu.memory_space<hbm>> -> memref<32xf32, #tpu.memory_space<hbm>>
      %dma_wait3A_93 = tpu.memref_slice %arg4[%mul3A_89] : memref<1024xf32, #tpu.memory_space<hbm>> -> memref<32xf32, #tpu.memory_space<hbm>>
      tpu.wait_dma2 semaphore(%run_scoped3A : memref<!tpu.dma_semaphore, #tpu.memory_space<semaphore_mem>>) src(%arg8 : memref<32xf32, #tpu.memory_space<vmem>>) dst(%dma_wait3A_93 : memref<32xf32, #tpu.memory_space<hbm>>)
      tpu.yield
    }) : () -> ()
    "tpu.trace_stop"() : () -> ()
    return
  }
}

</mosaic_0001>

<sc_bundles>
// kernel: kernel.3.cloned.1.call-start
scs
__scs_entry_jumppad:
0x0: {  	(pc) =	sbr.rel $0x88, $3  }
0x1: {  	(tag) =	ssettag $0x0;
	lr =	simm.s32 $0x1  }
0x2: {  	[smem:$0x3F9E] =	sst lr;
	_ =	strace $0xD0000000  }
0x3: {  	_ = 	snop  }
0x4: {  	_ = 	snop  }
0x5: {  	_ = 	snop  }
0x6: {  	_ = 	snop  }
0x7: {  	_ = 	snop  }
__scs_overlays_trampoline_lowered:
0x8: {  	[smem:$0x3FAD] =	sst s0  }
0x9: {  	[smem:$0x3FAE] =	sst s1  }
0xa: {  	[smem:$0x3FAF] =	sst s2  }
0xb: {  	[smem:$0x3FB0] =	sst s3  }
0xc: {  	[smem:$0x3FB1] =	sst s4  }
0xd: {  	[smem:$0x3FB2] =	sst s5  }
0xe: {  	[smem:$0x3FB3] =	sst s6  }
0xf: {  	[smem:$0x3FB4] =	sst s7  }
0x10: {  	[smem:$0x3FB5] =	sst s8  }
0x11: {  	[smem:$0x3FB6] =	sst s9;
	s0 =	simm.s32 @!p0 $0x0  }
0x12: {  	s1 =	sld [smem:$0x3F9C];
	s0 =	simm.s32 @p0 $0x1  }
0x13: {  	[smem:$0x3FB7] =	sst s0;
	s0 =	simm.s32 @!p1 $0x0  }
0x14: {  	s2 =	sld [smem:$0x3F9B];
	s0 =	simm.s32 @p1 $0x1  }
0x15: {  	[smem:$0x3FB8] =	sst s0;
	s0 =	simm.s32 @!p2 $0x0  }
0x16: {  	s3 =	sld [smem:$0x3FDB];
	s0 =	simm.s32 @p2 $0x1  }
0x17: {  	s4 =	simm.s32 $0x1BF5;
	[smem:$0x3FBA] =	sst s0  }
0x18: {  	s0 =	sld [smem:$0x3F9D];
	_ =	swait.ge [sflag:s4], $0x0  }
0x19: {  	s7 =	sld [smem:$0x3F9E]  }
0x1a: {  	s8 =	sadd.s32 $0xFFFFE003, lr  }
0x1b: {  	s9 =	sadd.s32 $0xFFFFFEF7, lr;
	s5 =	simm.s32 $0xFFFFFFFF;
	p2 =	slt.u32 s8, $0xFFFFF086  }
0x1c: {  	p1 =	slt.u32 s9, $0xF7A;
	s5 =	simm.s32 @!p2 $0x0  }
0x1d: {  	s5 =	simm.s32 @p1 $0x1;
	p0 =	seq.s32 s7, s2  }
0x1e: {  	s7 =	smul.u32 @!p0 $0xF7A, s2;
	p2 =	seq.s32 @!p0 s5, $0x0  }
0x1f: {  	s9 =	smul.u32 $0xF7A, s1;
	s8 =	simm.s32 @!p0 $0x1BF5;
	p2 =	por !p2, p0  }
0x20: {  	[sflag:s8] =	ssyncset.s32 @!p0 $0xFFFFF086;
	s6 =	sadd.s32 @!p0 s3, s7;
	s7 =	simm.s32 @!p0 $0x108  }
0x21: {  	s3 =	sadd.s32 s3, s9;
	s6 =	sadd.s32 @!p0 $0x88, s6;
	s7 =	simm.s32 @p2 $0x1082  }
0x22: {  	[simem:s7], [sflag:s8] =	dma.local @!p0 [hbm:s6], $0xF7A  }
0x23: {  	s9 =	sor.u32 $0xD0000000, s2;
	s6 =	simm.s32 $0x108;
	_ =	swait.ge @!p0 [sflag:s8], $0x0  }
0x24: {  	s3 =	sadd.s32 $0x88, s3;
	s6 =	simm.s32 @!p1 $0x1082;
	[sflag:s4] =	ssyncset.s32 $0xFFFFF086  }
0x25: {  	[simem:s6], [sflag:s4] =	dma.local [hbm:s3], $0xF7A  }
0x26: {  	[smem:$0x3F9E] =	sst s1;
	(tag) =	ssettag s2;
	_ =	strace s9  }
0x27: {  	s1 =	sld [smem:$0x3FAE]  }
0x28: {  	s2 =	sld [smem:$0x3FAF]  }
0x29: {  	s4 =	sld [smem:$0x3FB1]  }
0x2a: {  	p0 =	seq.s32 s5, $0x0;
	s5 =	sld [smem:$0x3FB2]  }
0x2b: {  	s6 =	sld [smem:$0x3FB3]  }
0x2c: {  	s7 =	sld [smem:$0x3FB4]  }
0x2d: {  	s3 =	simm.s32 $0x108;
	s8 =	sld [smem:$0x3FB5]  }
0x2e: {  	s3 =	simm.s32 @!p0 $0x1082;
	s9 =	sld [smem:$0x3FB6]  }
0x2f: {  	lr =	sadd.s32 s0, s3;
	s0 =	sld [smem:$0x3FAD]  }
0x30: {  	s3 =	sld [smem:$0x3FB0]  }
0x31: {  	[smem:$0x3FB9] =	sst s10  }
0x32: {  	s10 =	sld [smem:$0x3FB7];
	_ =	sdelay $0x3  }
0x33: {  	p0 =	seq.s32 s10, $0x1;
	s10 =	sld [smem:$0x3FB9];
	_ =	sdelay $0x3  }
0x34: {  	[smem:$0x3FB9] =	sst s10  }
0x35: {  	s10 =	sld [smem:$0x3FB8];
	_ =	sdelay $0x3  }
0x36: {  	p1 =	seq.s32 s10, $0x1;
	s10 =	sld [smem:$0x3FB9];
	_ =	sdelay $0x3  }
0x37: {  	[smem:$0x3FB9] =	sst s10  }
0x38: {  	s10 =	sld [smem:$0x3FBA]  }
0x39: {  	_ = 	snop;
	(pc) =	sbr.ind lr, $3  }
0x3a: {  	_ = 	snop  }
0x3b: {  	_ = 	snop  }
0x3c: {  	p2 =	seq.s32 s10, $0x1;
	s10 =	sld [smem:$0x3FB9]  }
0x3d: {  	_ =	shalt  }
0x3e: {  	_ =	shalt  }
0x3f: {  	_ =	shalt  }
0x40: {  	_ =	shalt  }
0x41: {  	_ =	shalt  }
0x42: {  	_ =	shalt  }
0x43: {  	_ =	shalt  }
0x44: {  	_ =	shalt  }
0x45: {  	_ =	shalt  }
0x46: {  	_ =	shalt  }
0x47: {  	_ =	shalt  }
0x48: {  	_ =	shalt  }
0x49: {  	_ =	shalt  }
0x4a: {  	_ =	shalt  }
0x4b: {  	_ =	shalt  }
0x4c: {  	_ =	shalt  }
0x4d: {  	_ =	shalt  }
0x4e: {  	_ =	shalt  }
0x4f: {  	_ =	shalt  }
0x50: {  	_ =	shalt  }
0x51: {  	_ =	shalt  }
0x52: {  	_ =	shalt  }
0x53: {  	_ =	shalt  }
0x54: {  	_ =	shalt  }
0x55: {  	_ =	shalt  }
0x56: {  	_ =	shalt  }
0x57: {  	_ =	shalt  }
0x58: {  	_ =	shalt  }
0x59: {  	_ =	shalt  }
0x5a: {  	_ =	shalt  }
0x5b: {  	_ =	shalt  }
0x5c: {  	_ =	shalt  }
0x5d: {  	_ =	shalt  }
0x5e: {  	_ =	shalt  }
0x5f: {  	_ =	shalt  }
0x60: {  	_ =	shalt  }
0x61: {  	_ =	shalt  }
0x62: {  	_ =	shalt  }
0x63: {  	_ =	shalt  }
0x64: {  	_ =	shalt  }
0x65: {  	_ =	shalt  }
0x66: {  	_ =	shalt  }
0x67: {  	_ =	shalt  }
0x68: {  	_ =	shalt  }
0x69: {  	_ =	shalt  }
0x6a: {  	_ =	shalt  }
0x6b: {  	_ =	shalt  }
0x6c: {  	_ =	shalt  }
0x6d: {  	_ =	shalt  }
0x6e: {  	_ =	shalt  }
0x6f: {  	_ =	shalt  }
0x70: {  	_ =	shalt  }
0x71: {  	_ =	shalt  }
0x72: {  	_ =	shalt  }
0x73: {  	_ =	shalt  }
0x74: {  	_ =	shalt  }
0x75: {  	_ =	shalt  }
0x76: {  	_ =	shalt  }
0x77: {  	_ =	shalt  }
0x78: {  	_ =	shalt  }
0x79: {  	_ =	shalt  }
0x7a: {  	_ =	shalt  }
0x7b: {  	_ =	shalt  }
0x7c: {  	_ =	shalt  }
0x7d: {  	_ =	shalt  }
0x7e: {  	_ =	shalt  }
0x7f: {  	_ =	shalt  }
0x80: {  	_ =	shalt  }
0x81: {  	_ =	shalt  }
0x82: {  	_ =	shalt  }
0x83: {  	_ =	shalt  }
0x84: {  	_ =	shalt  }
0x85: {  	_ =	shalt  }
0x86: {  	_ =	shalt  }
0x87: {  	_ =	shalt  }
.Lfunc_end0:
.L_simem_size_0:
called_computation_lowered:
.L_overlay_start_0:
0x88: {  	s2 =	sld [smem:$0x3FD9]  }
0x89: {  	s3 =	sld [smem:$0x3FFE];
	_ =	sdelay $0x1  }
0x8a: {  	s1 =	srdreg.scid  }
0x8b: {  	s0 =	sand.u32 $0x1, s1  }
0x8c: {  	s17 =	sshll.u32 s0, $0xA;
	s2 =	sadd.s32 s3, s2  }
0x8d: {  	s2 =	sadd.s32 s2, s17  }
0x8e: {  	[smem:$0x3FC5] =	sst s2  }
0x8f: {  	_ = 	snop  }
0x90: {  	s2 =	sld [smem:$0x3FC8]  }
0x91: {  	s18 =	sld [smem:$0x3FD0];
	(tm) =	ssettm $0x1  }
0x92: {  	s4 =	sld [smem:$0x3FFB];
	_ =	sdelay $0x3  }
0x93: {  	_ =	strace s4  }
0x94: {  	s4 =	sld [smem:$0x3FFC];
	_ =	sdelay $0x3  }
0x95: {  	_ =	strace s4  }
0x96: {  	s4 =	sld [smem:$0x3FFD];
	_ =	sdelay $0x3  }
0x97: {  	_ =	strace s4  }
0x98: {  	_ =	strace $0x8FFFFFFF  }
0x99: {  	s19 =	sld [smem:$0x3FDB];
	_ =	sdelay $0x1  }
0x9a: {  	s5 =	simm.s32 $_scs_section_size  }
0x9b: {  	s6 =	simm.s32 $_size__tile_overlayer_lowered;
	s7 =	simm.s32 $_tile_overlayer_lowered  }
0x9c: {  	s22 =	simm.s32 $0x1BFF;
	s21 =	sshll.u32 s7, $0x1;
	s4 =	sadd.s32 s5, s19  }
0x9d: {  	s8 =	simm.s32 $0x0;
	s20 =	sshll.u32 s6, $0x1;
	s6 =	sadd.s32 s21, s4  }
0x9e: {  	[timem:s8], [sflag:s22] =	dma.local [hbm:s6], s20  }
0x9f: {  	_ =	swait.ge [sflag:s22], s20  }
0xa0: {  	s5 =	ssub.s32 $0x0, s20;
	[sflag:s22] =	ssyncset.done $0x0  }
0xa1: {  	[sflag:s22] =	ssyncadd.s32 s5;
	_ =	sdelay $0x1  }
0xa2: {  	s23 =	simm.s32 $0x1B8B  }
0xa3: {  	_ =	swait.ge [sflag:s23], $0x1  }
0xa4: {  	[sflag:s23] =	ssyncset.done $0x0  }
0xa5: {  	s25 =	simm.s32 $0x1B8E;
	s24 =	sld [smem:$0x3FFE];
	[sflag:s23] =	ssyncadd.s32 $0xFFFFFFFF  }
0xa6: {  	s26 =	simm.s32 $execute0_lowered;
	[smem:$0x3FD2] =	sst s25  }
0xa7: {  	s6 =	sshll.u32 s26, $0x1;
	_ =	strace $0x80000046;
	[dreg:$0x1] =	wrdreg $0xFFFFFFFF  }
0xa8: {  	s28 =	simm.s32 $_size_execute0_lowered;
	s4 =	sadd.s32 s4, s6;
	[dreg:$0x0] =	wrdreg $0x0  }
0xa9: {  	s6 =	sshll.u32 s28, $0x1;
	[dreg:$0x2] =	wrdreg s4  }
0xaa: {  	[dreg:$0x3] =	wrdreg s6  }
0xab: {  	[dreg:$0x4] =	wrdreg $0xC0  }
0xac: {  	_ =	task [dreg:s8], $0x5FFFF  }
0xad: {  	[dreg:$0x1] =	wrdreg $0xFFFFFFFF  }
0xae: {  	[dreg:$0x0] =	wrdreg $0x60  }
0xaf: {  	[dreg:$0x2] =	wrdreg s24  }
0xb0: {  	[dreg:$0x3] =	wrdreg s2  }
0xb1: {  	[dreg:$0x4] =	wrdreg s18  }
0xb2: {  	[dreg:$0x5] =	wrdreg $0x1BA800  }
0xb3: {  	[dreg:$0x6] =	wrdreg $0x9  }
0xb4: {  	_ =	task.clear_ibuf [dreg:s8], $0x7FFFF;
	_ =	strace $0x90000046  }
0xb5: {  	s29 =	simm.s32 $0x9;
	_ =	strace $0x80000055  }
0xb6: {  	_ =	swait.ge [sflag:s29], $0x1  }
0xb7: {  	[sflag:s29] =	ssyncadd.s32 $0xFFFFFFFF  }
0xb8: {  	_ =	strace $0x90000055  }
0xb9: {  	_ =	sfence  }
0xba: {  	s30 =	sld [smem:$0x0];
	_ =	sdelay $0x2  }
0xbb: {  	s31 =	sshll.u32 s1, $0xD;
	s1 =	sshrl.u32 s1, $0x2  }
0xbc: {  	s3 =	sand.u32 $0x4000, s31;
	s1 =	sadd.s32 s1, s30  }
0xbd: {  	s0 =	sor.u32 s3, s0;
	s1 =	sshll.u32 s1, $0x11  }
0xbe: {  	s0 =	sor.u32 s1, s0  }
0xbf: {  	s0 =	sadd.s32 $0x8F2B, s0  }
0xc0: {  	[sflag:s0] =	ssyncadd.remote.s32 $0x1  }
0xc1: {  	_ =	sfence.sel $0xFFFF  }
0xc2: {  	[dreg:$0x0] =	wrdreg $0xFFFFFFFF;
	(pc) =	sbr.abs _section_cstart, $3  }
0xc3: {  	[dreg:$0x1] =	wrdreg $0xFFFFFFFF  }
0xc4: {  	_ =	task.clear_ibuf [dreg:s8], $0x2FFFF;
	_ =	strace $0x9FFFFFFF  }
0xc5: {  	(tm) =	ssettm $0x7FFFFFFF  }
tec
execute0_lowered:
.L_overlay_start_1:
0x0: {  	(tag) =	ssettag $0x1  }
0x1: {  	s4 =	rddreg [dreg:$0x0]  }
0x2: {  	s0 =	rddreg [dreg:$0x1]  }
0x3: {  	s5 =	rddreg [dreg:$0x2];
	s1 =	srdreg.scid  }
0x4: {  	s6 =	stileid.u32;
	s2 =	rddreg [dreg:$0x3];
	s3 =	simm.s32 $0x0  }
0x5: {  	s11 =	simm.s32 $0x1FC0;
	s12 =	simm.s32 $0xC80;
	s13 =	simm.s32 $0x2600  }
0x6: {  	s14 =	simm.s32 $0x12C0;
	s15 =	simm.s32 $0x2C40;
	s16 =	simm.s32 $0x2  }
0x7: {  	s17 =	simm.s32 $0x3300;
	s18 =	simm.s32 $0x1BA00;
	s19 =	simm.s32 $0x3  }
0x8: {  	s20 =	simm.s32 $0x0;
	s7 =	sand.u32 $0x1, s1;
	s1 =	rddreg [dreg:$0x4]  }
0x9: {  	s8 =	sshll.u32 s6, $0x1;
	[smem:$0x7FF] =	sst s3;
	p0 =	sne.s32 s6, $0x0  }
0xa: {  	s8 =	sor.u32 s7, s8;
	s7 =	ssub.s32 $0x2, s7;
	_ =	strace $0x80000047  }
0xb: {  	s9 =	smul.u32 $0x320, s8;
	s10 =	sshrl.u32 s7, $0x1;
	s8 =	sshll.u32 s8, $0x2  }
0xc: {  	s7 =	ssub.s32 s7, s10;
	s5 =	sadd.s32 s5, s8;
	s8 =	simm.s32 $0x1  }
0xd: {  	s10 =	simm.s32 $0x1980;
	s4 =	sadd.s32 s9, s4;
	s6 =	smax.u32 s7, $0x1  }
0xe: {  	v0 =	vlaneseq.u32;
	vm0 =	vmmov $0xff;
	s7 =	sshrl.u32 @!p0 s2, $0x3;
	s9 =	simm.s32 $0x640;
	s4 =	sadd.s32 $0x600, s4  }
.LBB2_1:
0xf: {  	_ =	strace $0x80000048  }
0x10: {  	[tilespmem:s3], [sflag:$0x1] =	stream.linear.gather [hbm4b:s4+s3], $0x1900, $0x200038;
	[tilespmem:$0x1D2F0] =	vst v63  }
0x11: {  	_ =	strace $0x90000048  }
0x12: {  	s21 =	simm.s32 @!p0 $0x1C03;
	_ =	strace $0x80000049  }
0x13: {  	[spmem:s7], [sflag:s21] =	dma.local @!p0 [hbm:s0], $0x30E0  }
0x14: {  	s21 =	simm.s32 @!p0 $0x3  }
0x15: {  	_ =	swait.ge @!p0 [sflag:s21], $0x30E0  }
0x16: {  	[sflag:s21] =	ssyncset.done @!p0 $0x0  }
0x17: {  	[sflag:s21] =	ssyncadd.s32 @!p0 $0xFFFFCF20  }
0x18: {  	[bflag:$0x0] =	sbarrier.arrive $0xFFFF  }
0x19: {  	_ =	strace $0x90000049  }
0x1a: {  	_ =	strace $0x8000004A  }
0x1b: {  	_ =	swait.ge [sflag:s8], $0x1900  }
0x1c: {  	[sflag:s8] =	ssyncset.done $0x0  }
0x1d: {  	[sflag:s8] =	ssyncadd.s32 $0xFFFFE700  }
0x1e: {  	_ =	strace $0x9000004A  }
0x1f: {  	_ =	strace $0x8000004B  }
0x20: {  	[tilespmem:s10], [sflag:$0x2] =	stream.indirect.gather [spmem:s2], $0x1, s3, s9, $0x2000b8;
	[tilespmem:$0x1D2F0] =	vst v63  }
0x21: {  	_ = 	snop  }
0x22: {  	[tilespmem:s11], [sflag:$0x2] =	stream.indirect.gather [spmem:s2], $0x1, s9, s9, $0x2000b8;
	[tilespmem:$0x1D2F0] =	vst v63  }
0x23: {  	_ = 	snop  }
0x24: {  	[tilespmem:s13], [sflag:$0x2] =	stream.indirect.gather [spmem:s2], $0x1, s12, s9, $0x2000b8;
	[tilespmem:$0x1D2F0] =	vst v63  }
0x25: {  	_ = 	snop  }
0x26: {  	[tilespmem:s15], [sflag:$0x2] =	stream.indirect.gather [spmem:s2], $0x1, s14, s9, $0x2000b8;
	[tilespmem:$0x1D2F0] =	vst v63  }
0x27: {  	_ =	strace $0x9000004B  }
0x28: {  	_ =	strace $0x8000004C  }
0x29: {  	_ =	swait.ge [sflag:s16], $0x640  }
0x2a: {  	[sflag:s16] =	ssyncset.done $0x0  }
0x2b: {  	s22 =	simm.s32 $0x60;
	[sflag:s16] =	ssyncadd.s32 $0xFFFFF9C0  }
0x2c: {  	s23 =	simm.s32 $0x19E0;
	s24 =	simm.s32 $0x0;
	_ =	strace $0x9000004C  }
0x2d: {  	s25 =	simm.s32 $0x0;
	s21 =	simm.s32 $0xC0;
	_ =	strace $0x8000004D  }
.LBB2_2:
0x2e: {  	v1 =	vld [tilespmem:s22+$0xFFFFFFA0];
	_ =	sdelay $0x5  }
0x2f: {  	s26 =	sadd.s32 $0xFFFFFF40, s21  }
0x30: {  	v2 =	vor.u32 s26, v0  }
0x31: {  	[tilespmem:v1+s17+$0x0] =	vst.idx.msk $0xffff, v2  }
0x32: {  	v1 =	vld [tilespmem:s22+$0xFFFFFFB0];
	_ =	sdelay $0x5  }
0x33: {  	s30 =	sadd.s32 $0xFFFFFF50, s21  }
0x34: {  	v3 =	vor.u32 s30, v0  }
0x35: {  	[tilespmem:v1+s17+$0x0] =	vst.idx.msk $0xffff, v3  }
0x36: {  	v1 =	vld [tilespmem:s22+$0xFFFFFFC0];
	_ =	sdelay $0x5  }
0x37: {  	s31 =	sadd.s32 $0xFFFFFF60, s21  }
0x38: {  	v4 =	vor.u32 s31, v0  }
0x39: {  	[tilespmem:v1+s17+$0x0] =	vst.idx.msk $0xffff, v4  }
0x3a: {  	v1 =	vld [tilespmem:s22+$0xFFFFFFD0];
	_ =	sdelay $0x5  }
0x3b: {  	s28 =	sadd.s32 $0xFFFFFF70, s21  }
0x3c: {  	v5 =	vor.u32 s28, v0  }
0x3d: {  	[tilespmem:v1+s17+$0x0] =	vst.idx.msk $0xffff, v5  }
0x3e: {  	v1 =	vld [tilespmem:s22+$0xFFFFFFE0];
	_ =	sdelay $0x5  }
0x3f: {  	s29 =	sadd.s32 $0xFFFFFF80, s21  }
0x40: {  	v6 =	vor.u32 s29, v0  }
0x41: {  	[tilespmem:v1+s17+$0x0] =	vst.idx.msk $0xffff, v6  }
0x42: {  	v1 =	vld [tilespmem:s22+$0xFFFFFFF0];
	_ =	sdelay $0x5  }
0x43: {  	s30 =	sadd.s32 $0xFFFFFF90, s21  }
0x44: {  	v7 =	vor.u32 s30, v0  }
0x45: {  	[tilespmem:v1+s17+$0x0] =	vst.idx.msk $0xffff, v7  }
0x46: {  	v1 =	vld [tilespmem:s22+$0x0];
	_ =	sdelay $0x5  }
0x47: {  	s31 =	sadd.s32 $0xFFFFFFA0, s21  }
0x48: {  	v8 =	vor.u32 s31, v0  }
0x49: {  	[tilespmem:v1+s17+$0x0] =	vst.idx.msk $0xffff, v8  }
0x4a: {  	v1 =	vld [tilespmem:s22+$0x10];
	_ =	sdelay $0x5  }
0x4b: {  	s28 =	sadd.s32 $0xFFFFFFB0, s21  }
0x4c: {  	v9 =	vor.u32 s28, v0  }
0x4d: {  	s26 =	sand.u32 $0x7F8, s24;
	[tilespmem:v1+s17+$0x0] =	vst.idx.msk $0xffff, v9  }
0x4e: {  	v1 =	vld [tilespmem:s26+$0x80];
	_ =	sdelay $0x5  }
0x4f: {  	s28 =	sadd.s32 $0xFFFFFFC0, s21  }
0x50: {  	v10 =	vor.u32 s28, v0  }
0x51: {  	[tilespmem:v1+s17+$0x0] =	vst.idx.msk $0xffff, v10  }
0x52: {  	v1 =	vld [tilespmem:s22+$0x30];
	_ =	sdelay $0x5  }
0x53: {  	s29 =	sadd.s32 $0xFFFFFFD0, s21  }
0x54: {  	v11 =	vor.u32 s29, v0  }
0x55: {  	[tilespmem:v1+s17+$0x0] =	vst.idx.msk $0xffff, v11  }
0x56: {  	v1 =	vld [tilespmem:s22+$0x40];
	_ =	sdelay $0x5  }
0x57: {  	s30 =	sadd.s32 $0xFFFFFFE0, s21  }
0x58: {  	v12 =	vor.u32 s30, v0  }
0x59: {  	[tilespmem:v1+s17+$0x0] =	vst.idx.msk $0xffff, v12  }
0x5a: {  	v1 =	vld [tilespmem:s22+$0x50];
	_ =	sdelay $0x5  }
0x5b: {  	s31 =	sadd.s32 $0xFFFFFFF0, s21  }
0x5c: {  	v13 =	vor.u32 s31, v0  }
0x5d: {  	[tilespmem:v1+s17+$0x0] =	vst.idx.msk $0xffff, v13  }
0x5e: {  	v1 =	vld [tilespmem:s22+$0x60];
	_ =	sdelay $0x6  }
0x5f: {  	v14 =	vor.u32 s21, v0  }
0x60: {  	[tilespmem:v1+s17+$0x0] =	vst.idx.msk $0xff, v14  }
0x61: {  	v1 =	vld [tilespmem:s22+$0xFFFFFFA0]  }
0x62: {  	v15 =	vld [tilespmem:s22+$0xFFFFFFB0]  }
0x63: {  	v16 =	vld [tilespmem:s22+$0xFFFFFFC0]  }
0x64: {  	v17 =	vld [tilespmem:s23+$0xFFFFFFA0]  }
0x65: {  	v19 =	vld [tilespmem:s22+$0xFFFFFFD0]  }
0x66: {  	v20 =	vld [tilespmem:s23+$0xFFFFFFB0]  }
0x67: {  	v22 =	vld [tilespmem:s22+$0xFFFFFFE0]  }
0x68: {  	v23 =	vld [tilespmem:s23+$0xFFFFFFC0]  }
0x69: {  	v25 =	vld [tilespmem:s23+$0xFFFFFFD0]  }
0x6a: {  	v26 =	vld [tilespmem:s22+$0xFFFFFFF0]  }
0x6b: {  	v28 =	vld [tilespmem:s22+$0x0]  }
0x6c: {  	v29 =	vld [tilespmem:s23+$0xFFFFFFE0]  }
0x6d: {  	v31 =	vld [tilespmem:s23+$0xFFFFFFF0]  }
0x6e: {  	v18 =	vld.idx.msk [tilespmem:v1+s17+$0x0], $0xffff  }
0x6f: {  	v21 =	vld.idx.msk [tilespmem:v15+s17+$0x0], $0xffff  }
0x70: {  	v24 =	vld.idx.msk [tilespmem:v16+s17+$0x0], $0xffff  }
0x71: {  	v32 =	vld [tilespmem:s22+$0x10]  }
0x72: {  	v42 =	vld [tilespmem:s23+$0x0]  }
0x73: {  	vm3 =	vne.s32 v1, $0x1;
	vm4 =	vne.s32 v15, $0x1;
	v27 =	vld.idx.msk [tilespmem:v19+s17+$0x0], $0xffff  }
0x74: {  	v45 =	vld [tilespmem:s22+$0x30];
	v1 =	vadd.f32 $0.0e+00, v17;
	vm1 =	veq.s32 v18, v2;
	vm2 =	veq.s32 v21, v3  }
0x75: {  	v30 =	vld.idx.msk [tilespmem:v22+s17+$0x0], $0xffff;
	vm1 =	vmand vm3, vm1;
	vm2 =	vmand vm4, vm2;
	vm3 =	veq.s32 v24, v4  }
0x76: {  	v2 =	vld [tilespmem:s26+$0x80];
	v1 =	vnsel vm1, $0x0, v1;
	v43 =	vnsel vm2, $0x0, v20;
	vm1 =	vne.s32 v16, $0x1  }
0x77: {  	v3 =	vld.idx.msk [tilespmem:v26+s17+$0x0], $0xffff;
	v1 =	vadd.f32 v43, v1;
	vm1 =	vmand vm1, vm3  }
0x78: {  	v47 =	vld [tilespmem:s23+$0x10];
	vm2 =	veq.s32 v27, v5;
	v46 =	vnsel vm1, $0x0, v23;
	vm1 =	vne.s32 v19, $0x1  }
0x79: {  	v48 =	vld [tilespmem:s22+$0x40];
	v1 =	vadd.f32 v46, v1;
	vm1 =	vmand vm1, vm2  }
0x7a: {  	v44 =	vld.idx.msk [tilespmem:v28+s17+$0x0], $0xffff;
	vm2 =	veq.s32 v30, v6;
	v49 =	vnsel vm1, $0x0, v25;
	vm1 =	vne.s32 v22, $0x1  }
0x7b: {  	v52 =	vld [tilespmem:s22+$0x50];
	v1 =	vadd.f32 v49, v1;
	vm1 =	vmand vm1, vm2  }
0x7c: {  	v50 =	vld.idx.msk [tilespmem:v32+s17+$0x0], $0xffff;
	vm2 =	veq.s32 v3, v7;
	v3 =	vnsel vm1, $0x0, v29  }
0x7d: {  	vm1 =	vne.s32 v26, $0x1;
	v1 =	vadd.f32 v3, v1;
	v3 =	vld [tilespmem:s22+$0x60]  }
0x7e: {  	v51 =	vld.idx.msk [tilespmem:v2+s17+$0x0], $0xffff;
	vm1 =	vmand vm1, vm2  }
0x7f: {  	v54 =	vld [tilespmem:s26+$0x1A00];
	vm2 =	veq.s32 v44, v8;
	v53 =	vnsel vm1, $0x0, v31;
	vm1 =	vne.s32 v28, $0x1  }
0x80: {  	v55 =	vld.idx.msk [tilespmem:v45+s17+$0x0], $0xffff;
	v1 =	vadd.f32 v53, v1;
	vm1 =	vmand vm1, vm2  }
0x81: {  	v56 =	vld [tilespmem:s23+$0x30];
	vm2 =	veq.s32 v50, v9;
	v4 =	vnsel vm1, $0x0, v42;
	vm1 =	vne.s32 v32, $0x1  }
0x82: {  	v57 =	vld.idx.msk [tilespmem:v48+s17+$0x0], $0xffff;
	v1 =	vadd.f32 v4, v1;
	vm1 =	vmand vm1, vm2  }
0x83: {  	v60 =	vld.idx.msk [tilespmem:v52+s17+$0x0], $0xffff;
	vm2 =	veq.s32 v51, v10;
	v58 =	vnsel vm1, $0x0, v47;
	vm1 =	vne.s32 v2, $0x1  }
0x84: {  	v2 =	vld [tilespmem:s23+$0x40];
	v1 =	vadd.f32 v58, v1;
	vm1 =	vmand vm1, vm2  }
0x85: {  	vm2 =	vne.s32 v45, $0x1;
	v59 =	vnsel vm1, $0x0, v54;
	vm1 =	veq.s32 v55, v11;
	v61 =	vld.idx.msk [tilespmem:v3+s17+$0x0], $0xff  }
0x86: {  	v62 =	vld [tilespmem:s23+$0x50];
	v1 =	vadd.f32 v59, v1;
	vm1 =	vmand vm2, vm1  }
0x87: {  	vm2 =	vne.s32 v48, $0x1;
	v9 =	vnsel vm1, $0x0, v56;
	vm1 =	veq.s32 v57, v12  }
0x88: {  	v63 =	vld [tilespmem:s23+$0x60];
	vm3 =	vne.s32 v3, $0x1;
	v1 =	vadd.f32 v9, v1;
	vm1 =	vmand vm2, vm1  }
0x89: {  	vm2 =	vne.s32 v52, $0x1;
	v2 =	vnsel vm1, $0x0, v2;
	vm1 =	veq.s32 v60, v13  }
0x8a: {  	v1 =	vadd.f32 v2, v1;
	vm1 =	vmand vm2, vm1;
	vm2 =	veq.s32 v61, v14  }
0x8b: {  	v2 =	vnsel vm1, $0x0, v62;
	vm1 =	vmand vm3, vm2  }
0x8c: {  	v1 =	vadd.f32 v2, v1;
	vm1 =	vmand vm1, vm0  }
0x8d: {  	v2 =	vnsel vm1, $0x0, v63  }
0x8e: {  	v1 =	vadd.f32 v2, v1;
	_ =	sdelay $0x1  }
0x8f: {  	(xrf2) =	vadd.scan.msk.f32 $0xffff, v1;
	_ =	sdelay $0x7  }
0x90: {  	p1 =	sne.s32 s21, $0x7C0;
	v1 =	vmov s25  }
.Ltmp0:
0x91: {  	_ = 	snop;
	(pc) =	sbr.rel @p1 .LBB2_2-.Ltmp0, $4  }
0x92: {  	v2, _, _ =	vpop (xrf2)  }
0x93: {  	v2 =	vbroadcast v2, $0xF  }
0x94: {  	s24 =	sadd.s32 $0xC8, s24;
	s21 =	sadd.s32 $0x100, s21  }
0x95: {  	s22 =	sadd.s32 $0xC8, s22;
	s23 =	sadd.s32 $0xC8, s23;
	s25 =	sadd.s32 $0x1, s25;
	[tilespmem:v1+s18+$0x0] =	vst.idx.msk $0x1, v2  }
0x96: {  	_ =	strace $0x9000004D  }
0x97: {  	_ =	strace $0x8000004E  }
0x98: {  	_ =	swait.ge [sflag:s16], $0x640  }
0x99: {  	[sflag:s16] =	ssyncset.done $0x0  }
0x9a: {  	s21 =	simm.s32 $0x8;
	[sflag:s16] =	ssyncadd.s32 $0xFFFFF9C0  }
0x9b: {  	s22 =	simm.s32 $0x8C0;
	s23 =	simm.s32 $0x640;
	_ =	strace $0x9000004E  }
0x9c: {  	s24 =	simm.s32 $0x700;
	s25 =	simm.s32 $0x2080;
	_ =	strace $0x8000004F  }
.LBB2_4:
0x9d: {  	v1 =	vld [tilespmem:s24+$0xFFFFFF40];
	_ =	sdelay $0x5  }
0x9e: {  	s26 =	sadd.s32 $0xFFFFFF40, s22  }
0x9f: {  	v2 =	vor.u32 s26, v0  }
0xa0: {  	[tilespmem:v1+s17+$0x0] =	vst.idx.msk $0xffff, v2  }
0xa1: {  	v1 =	vld [tilespmem:s24+$0xFFFFFF50];
	_ =	sdelay $0x5  }
0xa2: {  	s30 =	sadd.s32 $0xFFFFFF50, s22  }
0xa3: {  	v3 =	vor.u32 s30, v0  }
0xa4: {  	[tilespmem:v1+s17+$0x0] =	vst.idx.msk $0xffff, v3  }
0xa5: {  	v1 =	vld [tilespmem:s24+$0xFFFFFF60];
	_ =	sdelay $0x5  }
0xa6: {  	s31 =	sadd.s32 $0xFFFFFF60, s22  }
0xa7: {  	v4 =	vor.u32 s31, v0  }
0xa8: {  	[tilespmem:v1+s17+$0x0] =	vst.idx.msk $0xffff, v4  }
0xa9: {  	v1 =	vld [tilespmem:s24+$0xFFFFFF70];
	_ =	sdelay $0x5  }
0xaa: {  	s28 =	sadd.s32 $0xFFFFFF70, s22  }
0xab: {  	v5 =	vor.u32 s28, v0  }
0xac: {  	[tilespmem:v1+s17+$0x0] =	vst.idx.msk $0xffff, v5  }
0xad: {  	v1 =	vld [tilespmem:s24+$0xFFFFFF80];
	_ =	sdelay $0x5  }
0xae: {  	s29 =	sadd.s32 $0xFFFFFF80, s22  }
0xaf: {  	v6 =	vor.u32 s29, v0  }
0xb0: {  	[tilespmem:v1+s17+$0x0] =	vst.idx.msk $0xffff, v6  }
0xb1: {  	v1 =	vld [tilespmem:s24+$0xFFFFFF90];
	_ =	sdelay $0x5  }
0xb2: {  	s30 =	sadd.s32 $0xFFFFFF90, s22  }
0xb3: {  	v7 =	vor.u32 s30, v0  }
0xb4: {  	[tilespmem:v1+s17+$0x0] =	vst.idx.msk $0xffff, v7  }
0xb5: {  	v1 =	vld [tilespmem:s24+$0xFFFFFFA0];
	_ =	sdelay $0x5  }
0xb6: {  	s31 =	sadd.s32 $0xFFFFFFA0, s22  }
0xb7: {  	v8 =	vor.u32 s31, v0  }
0xb8: {  	[tilespmem:v1+s17+$0x0] =	vst.idx.msk $0xffff, v8  }
0xb9: {  	v1 =	vld [tilespmem:s24+$0xFFFFFFB0];
	_ =	sdelay $0x5  }
0xba: {  	s28 =	sadd.s32 $0xFFFFFFB0, s22  }
0xbb: {  	v9 =	vor.u32 s28, v0  }
0xbc: {  	s26 =	sand.u32 $0xFF8, s23;
	[tilespmem:v1+s17+$0x0] =	vst.idx.msk $0xffff, v9  }
0xbd: {  	v1 =	vld [tilespmem:s26+$0x80];
	_ =	sdelay $0x5  }
0xbe: {  	s28 =	sadd.s32 $0xFFFFFFC0, s22  }
0xbf: {  	v10 =	vor.u32 s28, v0  }
0xc0: {  	[tilespmem:v1+s17+$0x0] =	vst.idx.msk $0xffff, v10  }
0xc1: {  	v1 =	vld [tilespmem:s24+$0xFFFFFFD0];
	_ =	sdelay $0x5  }
0xc2: {  	s29 =	sadd.s32 $0xFFFFFFD0, s22  }
0xc3: {  	v11 =	vor.u32 s29, v0  }
0xc4: {  	[tilespmem:v1+s17+$0x0] =	vst.idx.msk $0xffff, v11  }
0xc5: {  	v1 =	vld [tilespmem:s24+$0xFFFFFFE0];
	_ =	sdelay $0x5  }
0xc6: {  	s30 =	sadd.s32 $0xFFFFFFE0, s22  }
0xc7: {  	v12 =	vor.u32 s30, v0  }
0xc8: {  	[tilespmem:v1+s17+$0x0] =	vst.idx.msk $0xffff, v12  }
0xc9: {  	v1 =	vld [tilespmem:s24+$0xFFFFFFF0];
	_ =	sdelay $0x5  }
0xca: {  	s31 =	sadd.s32 $0xFFFFFFF0, s22  }
0xcb: {  	v13 =	vor.u32 s31, v0  }
0xcc: {  	[tilespmem:v1+s17+$0x0] =	vst.idx.msk $0xffff, v13  }
0xcd: {  	v1 =	vld [tilespmem:s24+$0x0];
	_ =	sdelay $0x6  }
0xce: {  	v14 =	vor.u32 s22, v0  }
0xcf: {  	[tilespmem:v1+s17+$0x0] =	vst.idx.msk $0xff, v14  }
0xd0: {  	v1 =	vld [tilespmem:s24+$0xFFFFFF40]  }
0xd1: {  	v15 =	vld [tilespmem:s24+$0xFFFFFF50]  }
0xd2: {  	v16 =	vld [tilespmem:s24+$0xFFFFFF60]  }
0xd3: {  	v17 =	vld [tilespmem:s25+$0xFFFFFF40]  }
0xd4: {  	v19 =	vld [tilespmem:s24+$0xFFFFFF70]  }
0xd5: {  	v20 =	vld [tilespmem:s25+$0xFFFFFF50]  }
0xd6: {  	v22 =	vld [tilespmem:s24+$0xFFFFFF80]  }
0xd7: {  	v23 =	vld [tilespmem:s25+$0xFFFFFF60]  }
0xd8: {  	v25 =	vld [tilespmem:s25+$0xFFFFFF70]  }
0xd9: {  	v26 =	vld [tilespmem:s24+$0xFFFFFF90]  }
0xda: {  	v28 =	vld [tilespmem:s24+$0xFFFFFFA0]  }
0xdb: {  	v29 =	vld [tilespmem:s25+$0xFFFFFF80]  }
0xdc: {  	v31 =	vld [tilespmem:s25+$0xFFFFFF90]  }
0xdd: {  	v18 =	vld.idx.msk [tilespmem:v1+s17+$0x0], $0xffff  }
0xde: {  	v21 =	vld.idx.msk [tilespmem:v15+s17+$0x0], $0xffff  }
0xdf: {  	v24 =	vld.idx.msk [tilespmem:v16+s17+$0x0], $0xffff  }
0xe0: {  	v32 =	vld [tilespmem:s24+$0xFFFFFFB0]  }
0xe1: {  	v42 =	vld [tilespmem:s25+$0xFFFFFFA0]  }
0xe2: {  	vm3 =	vne.s32 v1, $0x1;
	vm4 =	vne.s32 v15, $0x1;
	v27 =	vld.idx.msk [tilespmem:v19+s17+$0x0], $0xffff  }
0xe3: {  	v45 =	vld [tilespmem:s24+$0xFFFFFFD0];
	v1 =	vadd.f32 $0.0e+00, v17;
	vm1 =	veq.s32 v18, v2;
	vm2 =	veq.s32 v21, v3  }
0xe4: {  	v30 =	vld.idx.msk [tilespmem:v22+s17+$0x0], $0xffff;
	vm1 =	vmand vm3, vm1;
	vm2 =	vmand vm4, vm2;
	vm3 =	veq.s32 v24, v4  }
0xe5: {  	v2 =	vld [tilespmem:s26+$0x80];
	v1 =	vnsel vm1, $0x0, v1;
	v43 =	vnsel vm2, $0x0, v20;
	vm1 =	vne.s32 v16, $0x1  }
0xe6: {  	v3 =	vld.idx.msk [tilespmem:v26+s17+$0x0], $0xffff;
	v1 =	vadd.f32 v43, v1;
	vm1 =	vmand vm1, vm3  }
0xe7: {  	v47 =	vld [tilespmem:s25+$0xFFFFFFB0];
	vm2 =	veq.s32 v27, v5;
	v46 =	vnsel vm1, $0x0, v23;
	vm1 =	vne.s32 v19, $0x1  }
0xe8: {  	v48 =	vld [tilespmem:s24+$0xFFFFFFE0];
	v1 =	vadd.f32 v46, v1;
	vm1 =	vmand vm1, vm2  }
0xe9: {  	v44 =	vld.idx.msk [tilespmem:v28+s17+$0x0], $0xffff;
	vm2 =	veq.s32 v30, v6;
	v49 =	vnsel vm1, $0x0, v25;
	vm1 =	vne.s32 v22, $0x1  }
0xea: {  	v52 =	vld [tilespmem:s24+$0xFFFFFFF0];
	v1 =	vadd.f32 v49, v1;
	vm1 =	vmand vm1, vm2  }
0xeb: {  	v50 =	vld.idx.msk [tilespmem:v32+s17+$0x0], $0xffff;
	vm2 =	veq.s32 v3, v7;
	v3 =	vnsel vm1, $0x0, v29  }
0xec: {  	vm1 =	vne.s32 v26, $0x1;
	v1 =	vadd.f32 v3, v1;
	v3 =	vld [tilespmem:s24+$0x0]  }
0xed: {  	v51 =	vld.idx.msk [tilespmem:v2+s17+$0x0], $0xffff;
	vm1 =	vmand vm1, vm2  }
0xee: {  	v54 =	vld [tilespmem:s26+$0x1A00];
	vm2 =	veq.s32 v44, v8;
	v53 =	vnsel vm1, $0x0, v31;
	vm1 =	vne.s32 v28, $0x1  }
0xef: {  	v55 =	vld.idx.msk [tilespmem:v45+s17+$0x0], $0xffff;
	v1 =	vadd.f32 v53, v1;
	vm1 =	vmand vm1, vm2  }
0xf0: {  	v56 =	vld [tilespmem:s25+$0xFFFFFFD0];
	vm2 =	veq.s32 v50, v9;
	v4 =	vnsel vm1, $0x0, v42;
	vm1 =	vne.s32 v32, $0x1  }
0xf1: {  	v57 =	vld.idx.msk [tilespmem:v48+s17+$0x0], $0xffff;
	v1 =	vadd.f32 v4, v1;
	vm1 =	vmand vm1, vm2  }
0xf2: {  	v60 =	vld.idx.msk [tilespmem:v52+s17+$0x0], $0xffff;
	vm2 =	veq.s32 v51, v10;
	v58 =	vnsel vm1, $0x0, v47;
	vm1 =	vne.s32 v2, $0x1  }
0xf3: {  	v2 =	vld [tilespmem:s25+$0xFFFFFFE0];
	v1 =	vadd.f32 v58, v1;
	vm1 =	vmand vm1, vm2  }
0xf4: {  	vm2 =	vne.s32 v45, $0x1;
	v59 =	vnsel vm1, $0x0, v54;
	vm1 =	veq.s32 v55, v11;
	v61 =	vld.idx.msk [tilespmem:v3+s17+$0x0], $0xff  }
0xf5: {  	v62 =	vld [tilespmem:s25+$0xFFFFFFF0];
	v1 =	vadd.f32 v59, v1;
	vm1 =	vmand vm2, vm1  }
0xf6: {  	vm2 =	vne.s32 v48, $0x1;
	v9 =	vnsel vm1, $0x0, v56;
	vm1 =	veq.s32 v57, v12  }
0xf7: {  	v63 =	vld [tilespmem:s25+$0x0];
	vm3 =	vne.s32 v3, $0x1;
	v1 =	vadd.f32 v9, v1;
	vm1 =	vmand vm2, vm1  }
0xf8: {  	vm2 =	vne.s32 v52, $0x1;
	v2 =	vnsel vm1, $0x0, v2;
	vm1 =	veq.s32 v60, v13  }
0xf9: {  	v1 =	vadd.f32 v2, v1;
	vm1 =	vmand vm2, vm1;
	vm2 =	veq.s32 v61, v14  }
0xfa: {  	v2 =	vnsel vm1, $0x0, v62;
	vm1 =	vmand vm3, vm2  }
0xfb: {  	v1 =	vadd.f32 v2, v1;
	vm1 =	vmand vm1, vm0  }
0xfc: {  	v2 =	vnsel vm1, $0x0, v63  }
0xfd: {  	v1 =	vadd.f32 v2, v1;
	_ =	sdelay $0x1  }
0xfe: {  	(xrf2) =	vadd.scan.msk.f32 $0xffff, v1;
	_ =	sdelay $0x7  }
0xff: {  	p1 =	sne.s32 s22, $0xFC0;
	v1 =	vmov s21  }
.Ltmp1:
0x100: {  	_ = 	snop;
	(pc) =	sbr.rel @p1 .LBB2_4-.Ltmp1, $4  }
0x101: {  	v2, _, _ =	vpop (xrf2)  }
0x102: {  	v2 =	vbroadcast v2, $0xF  }
0x103: {  	s23 =	sadd.s32 $0xC8, s23;
	s22 =	sadd.s32 $0x100, s22  }
0x104: {  	s24 =	sadd.s32 $0xC8, s24;
	s25 =	sadd.s32 $0xC8, s25;
	s21 =	sadd.s32 $0x1, s21;
	[tilespmem:v1+s18+$0x0] =	vst.idx.msk $0x1, v2  }
0x105: {  	_ =	strace $0x9000004F  }
0x106: {  	_ =	strace $0x80000050  }
0x107: {  	_ =	swait.ge [sflag:s16], $0x640  }
0x108: {  	[sflag:s16] =	ssyncset.done $0x0  }
0x109: {  	s21 =	simm.s32 $0x10;
	[sflag:s16] =	ssyncadd.s32 $0xFFFFF9C0  }
0x10a: {  	s22 =	simm.s32 $0x10C0;
	s23 =	simm.s32 $0xC80;
	_ =	strace $0x90000050  }
0x10b: {  	s24 =	simm.s32 $0xD40;
	s25 =	simm.s32 $0x26C0;
	_ =	strace $0x80000051  }
.LBB2_6:
0x10c: {  	v1 =	vld [tilespmem:s24+$0xFFFFFF40];
	_ =	sdelay $0x5  }
0x10d: {  	s26 =	sadd.s32 $0xFFFFFF40, s22  }
0x10e: {  	v2 =	vor.u32 s26, v0  }
0x10f: {  	[tilespmem:v1+s17+$0x0] =	vst.idx.msk $0xffff, v2  }
0x110: {  	v1 =	vld [tilespmem:s24+$0xFFFFFF50];
	_ =	sdelay $0x5  }
0x111: {  	s30 =	sadd.s32 $0xFFFFFF50, s22  }
0x112: {  	v3 =	vor.u32 s30, v0  }
0x113: {  	[tilespmem:v1+s17+$0x0] =	vst.idx.msk $0xffff, v3  }
0x114: {  	v1 =	vld [tilespmem:s24+$0xFFFFFF60];
	_ =	sdelay $0x5  }
0x115: {  	s31 =	sadd.s32 $0xFFFFFF60, s22  }
0x116: {  	v4 =	vor.u32 s31, v0  }
0x117: {  	[tilespmem:v1+s17+$0x0] =	vst.idx.msk $0xffff, v4  }
0x118: {  	v1 =	vld [tilespmem:s24+$0xFFFFFF70];
	_ =	sdelay $0x5  }
0x119: {  	s28 =	sadd.s32 $0xFFFFFF70, s22  }
0x11a: {  	v5 =	vor.u32 s28, v0  }
0x11b: {  	[tilespmem:v1+s17+$0x0] =	vst.idx.msk $0xffff, v5  }
0x11c: {  	v1 =	vld [tilespmem:s24+$0xFFFFFF80];
	_ =	sdelay $0x5  }
0x11d: {  	s29 =	sadd.s32 $0xFFFFFF80, s22  }
0x11e: {  	v6 =	vor.u32 s29, v0  }
0x11f: {  	[tilespmem:v1+s17+$0x0] =	vst.idx.msk $0xffff, v6  }
0x120: {  	v1 =	vld [tilespmem:s24+$0xFFFFFF90];
	_ =	sdelay $0x5  }
0x121: {  	s30 =	sadd.s32 $0xFFFFFF90, s22  }
0x122: {  	v7 =	vor.u32 s30, v0  }
0x123: {  	[tilespmem:v1+s17+$0x0] =	vst.idx.msk $0xffff, v7  }
0x124: {  	v1 =	vld [tilespmem:s24+$0xFFFFFFA0];
	_ =	sdelay $0x5  }
0x125: {  	s31 =	sadd.s32 $0xFFFFFFA0, s22  }
0x126: {  	v8 =	vor.u32 s31, v0  }
0x127: {  	[tilespmem:v1+s17+$0x0] =	vst.idx.msk $0xffff, v8  }
0x128: {  	v1 =	vld [tilespmem:s24+$0xFFFFFFB0];
	_ =	sdelay $0x5  }
0x129: {  	s28 =	sadd.s32 $0xFFFFFFB0, s22  }
0x12a: {  	v9 =	vor.u32 s28, v0  }
0x12b: {  	s26 =	sand.u32 $0x1FF8, s23;
	[tilespmem:v1+s17+$0x0] =	vst.idx.msk $0xffff, v9  }
0x12c: {  	v1 =	vld [tilespmem:s26+$0x80];
	_ =	sdelay $0x5  }
0x12d: {  	s28 =	sadd.s32 $0xFFFFFFC0, s22  }
0x12e: {  	v10 =	vor.u32 s28, v0  }
0x12f: {  	[tilespmem:v1+s17+$0x0] =	vst.idx.msk $0xffff, v10  }
0x130: {  	v1 =	vld [tilespmem:s24+$0xFFFFFFD0];
	_ =	sdelay $0x5  }
0x131: {  	s29 =	sadd.s32 $0xFFFFFFD0, s22  }
0x132: {  	v11 =	vor.u32 s29, v0  }
0x133: {  	[tilespmem:v1+s17+$0x0] =	vst.idx.msk $0xffff, v11  }
0x134: {  	v1 =	vld [tilespmem:s24+$0xFFFFFFE0];
	_ =	sdelay $0x5  }
0x135: {  	s30 =	sadd.s32 $0xFFFFFFE0, s22  }
0x136: {  	v12 =	vor.u32 s30, v0  }
0x137: {  	[tilespmem:v1+s17+$0x0] =	vst.idx.msk $0xffff, v12  }
0x138: {  	v1 =	vld [tilespmem:s24+$0xFFFFFFF0];
	_ =	sdelay $0x5  }
0x139: {  	s31 =	sadd.s32 $0xFFFFFFF0, s22  }
0x13a: {  	v13 =	vor.u32 s31, v0  }
0x13b: {  	[tilespmem:v1+s17+$0x0] =	vst.idx.msk $0xffff, v13  }
0x13c: {  	v1 =	vld [tilespmem:s24+$0x0];
	_ =	sdelay $0x6  }
0x13d: {  	v14 =	vor.u32 s22, v0  }
0x13e: {  	[tilespmem:v1+s17+$0x0] =	vst.idx.msk $0xff, v14  }
0x13f: {  	v1 =	vld [tilespmem:s24+$0xFFFFFF40]  }
0x140: {  	v15 =	vld [tilespmem:s24+$0xFFFFFF50]  }
0x141: {  	v16 =	vld [tilespmem:s24+$0xFFFFFF60]  }
0x142: {  	v17 =	vld [tilespmem:s25+$0xFFFFFF40]  }
0x143: {  	v19 =	vld [tilespmem:s24+$0xFFFFFF70]  }
0x144: {  	v20 =	vld [tilespmem:s25+$0xFFFFFF50]  }
0x145: {  	v22 =	vld [tilespmem:s24+$0xFFFFFF80]  }
0x146: {  	v23 =	vld [tilespmem:s25+$0xFFFFFF60]  }
0x147: {  	v25 =	vld [tilespmem:s25+$0xFFFFFF70]  }
0x148: {  	v26 =	vld [tilespmem:s24+$0xFFFFFF90]  }
0x149: {  	v28 =	vld [tilespmem:s24+$0xFFFFFFA0]  }
0x14a: {  	v29 =	vld [tilespmem:s25+$0xFFFFFF80]  }
0x14b: {  	v31 =	vld [tilespmem:s25+$0xFFFFFF90]  }
0x14c: {  	v18 =	vld.idx.msk [tilespmem:v1+s17+$0x0], $0xffff  }
0x14d: {  	v21 =	vld.idx.msk [tilespmem:v15+s17+$0x0], $0xffff  }
0x14e: {  	v24 =	vld.idx.msk [tilespmem:v16+s17+$0x0], $0xffff  }
0x14f: {  	v32 =	vld [tilespmem:s24+$0xFFFFFFB0]  }
0x150: {  	v42 =	vld [tilespmem:s25+$0xFFFFFFA0]  }
0x151: {  	vm3 =	vne.s32 v1, $0x1;
	vm4 =	vne.s32 v15, $0x1;
	v27 =	vld.idx.msk [tilespmem:v19+s17+$0x0], $0xffff  }
0x152: {  	v45 =	vld [tilespmem:s24+$0xFFFFFFD0];
	v1 =	vadd.f32 $0.0e+00, v17;
	vm1 =	veq.s32 v18, v2;
	vm2 =	veq.s32 v21, v3  }
0x153: {  	v30 =	vld.idx.msk [tilespmem:v22+s17+$0x0], $0xffff;
	vm1 =	vmand vm3, vm1;
	vm2 =	vmand vm4, vm2;
	vm3 =	veq.s32 v24, v4  }
0x154: {  	v2 =	vld [tilespmem:s26+$0x80];
	v1 =	vnsel vm1, $0x0, v1;
	v43 =	vnsel vm2, $0x0, v20;
	vm1 =	vne.s32 v16, $0x1  }
0x155: {  	v3 =	vld.idx.msk [tilespmem:v26+s17+$0x0], $0xffff;
	v1 =	vadd.f32 v43, v1;
	vm1 =	vmand vm1, vm3  }
0x156: {  	v47 =	vld [tilespmem:s25+$0xFFFFFFB0];
	vm2 =	veq.s32 v27, v5;
	v46 =	vnsel vm1, $0x0, v23;
	vm1 =	vne.s32 v19, $0x1  }
0x157: {  	v48 =	vld [tilespmem:s24+$0xFFFFFFE0];
	v1 =	vadd.f32 v46, v1;
	vm1 =	vmand vm1, vm2  }
0x158: {  	v44 =	vld.idx.msk [tilespmem:v28+s17+$0x0], $0xffff;
	vm2 =	veq.s32 v30, v6;
	v49 =	vnsel vm1, $0x0, v25;
	vm1 =	vne.s32 v22, $0x1  }
0x159: {  	v52 =	vld [tilespmem:s24+$0xFFFFFFF0];
	v1 =	vadd.f32 v49, v1;
	vm1 =	vmand vm1, vm2  }
0x15a: {  	v50 =	vld.idx.msk [tilespmem:v32+s17+$0x0], $0xffff;
	vm2 =	veq.s32 v3, v7;
	v3 =	vnsel vm1, $0x0, v29  }
0x15b: {  	vm1 =	vne.s32 v26, $0x1;
	v1 =	vadd.f32 v3, v1;
	v3 =	vld [tilespmem:s24+$0x0]  }
0x15c: {  	v51 =	vld.idx.msk [tilespmem:v2+s17+$0x0], $0xffff;
	vm1 =	vmand vm1, vm2  }
0x15d: {  	v54 =	vld [tilespmem:s26+$0x1A00];
	vm2 =	veq.s32 v44, v8;
	v53 =	vnsel vm1, $0x0, v31;
	vm1 =	vne.s32 v28, $0x1  }
0x15e: {  	v55 =	vld.idx.msk [tilespmem:v45+s17+$0x0], $0xffff;
	v1 =	vadd.f32 v53, v1;
	vm1 =	vmand vm1, vm2  }
0x15f: {  	v56 =	vld [tilespmem:s25+$0xFFFFFFD0];
	vm2 =	veq.s32 v50, v9;
	v4 =	vnsel vm1, $0x0, v42;
	vm1 =	vne.s32 v32, $0x1  }
0x160: {  	v57 =	vld.idx.msk [tilespmem:v48+s17+$0x0], $0xffff;
	v1 =	vadd.f32 v4, v1;
	vm1 =	vmand vm1, vm2  }
0x161: {  	v60 =	vld.idx.msk [tilespmem:v52+s17+$0x0], $0xffff;
	vm2 =	veq.s32 v51, v10;
	v58 =	vnsel vm1, $0x0, v47;
	vm1 =	vne.s32 v2, $0x1  }
0x162: {  	v2 =	vld [tilespmem:s25+$0xFFFFFFE0];
	v1 =	vadd.f32 v58, v1;
	vm1 =	vmand vm1, vm2  }
0x163: {  	vm2 =	vne.s32 v45, $0x1;
	v59 =	vnsel vm1, $0x0, v54;
	vm1 =	veq.s32 v55, v11;
	v61 =	vld.idx.msk [tilespmem:v3+s17+$0x0], $0xff  }
0x164: {  	v62 =	vld [tilespmem:s25+$0xFFFFFFF0];
	v1 =	vadd.f32 v59, v1;
	vm1 =	vmand vm2, vm1  }
0x165: {  	vm2 =	vne.s32 v48, $0x1;
	v9 =	vnsel vm1, $0x0, v56;
	vm1 =	veq.s32 v57, v12  }
0x166: {  	v63 =	vld [tilespmem:s25+$0x0];
	vm3 =	vne.s32 v3, $0x1;
	v1 =	vadd.f32 v9, v1;
	vm1 =	vmand vm2, vm1  }
0x167: {  	vm2 =	vne.s32 v52, $0x1;
	v2 =	vnsel vm1, $0x0, v2;
	vm1 =	veq.s32 v60, v13  }
0x168: {  	v1 =	vadd.f32 v2, v1;
	vm1 =	vmand vm2, vm1;
	vm2 =	veq.s32 v61, v14  }
0x169: {  	v2 =	vnsel vm1, $0x0, v62;
	vm1 =	vmand vm3, vm2  }
0x16a: {  	v1 =	vadd.f32 v2, v1;
	vm1 =	vmand vm1, vm0  }
0x16b: {  	v2 =	vnsel vm1, $0x0, v63  }
0x16c: {  	v1 =	vadd.f32 v2, v1;
	_ =	sdelay $0x1  }
0x16d: {  	(xrf2) =	vadd.scan.msk.f32 $0xffff, v1;
	_ =	sdelay $0x7  }
0x16e: {  	p1 =	sne.s32 s22, $0x17C0;
	v1 =	vmov s21  }
.Ltmp2:
0x16f: {  	_ = 	snop;
	(pc) =	sbr.rel @p1 .LBB2_6-.Ltmp2, $4  }
0x170: {  	v2, _, _ =	vpop (xrf2)  }
0x171: {  	v2 =	vbroadcast v2, $0xF  }
0x172: {  	s23 =	sadd.s32 $0xC8, s23;
	s22 =	sadd.s32 $0x100, s22  }
0x173: {  	s24 =	sadd.s32 $0xC8, s24;
	s25 =	sadd.s32 $0xC8, s25;
	s21 =	sadd.s32 $0x1, s21;
	[tilespmem:v1+s18+$0x0] =	vst.idx.msk $0x1, v2  }
0x174: {  	_ =	strace $0x90000051  }
0x175: {  	_ =	strace $0x80000052  }
0x176: {  	_ =	swait.ge [sflag:s16], $0x640  }
0x177: {  	[sflag:s16] =	ssyncset.done $0x0  }
0x178: {  	s21 =	simm.s32 $0x18;
	[sflag:s16] =	ssyncadd.s32 $0xFFFFF9C0  }
0x179: {  	s22 =	simm.s32 $0x18C0;
	s23 =	simm.s32 $0x12C0;
	_ =	strace $0x90000052  }
0x17a: {  	s24 =	simm.s32 $0x1380;
	s25 =	simm.s32 $0x2D00;
	_ =	strace $0x80000053  }
.LBB2_8:
0x17b: {  	v1 =	vld [tilespmem:s24+$0xFFFFFF40];
	_ =	sdelay $0x5  }
0x17c: {  	s26 =	sadd.s32 $0xFFFFFF40, s22  }
0x17d: {  	v2 =	vor.u32 s26, v0  }
0x17e: {  	[tilespmem:v1+s17+$0x0] =	vst.idx.msk $0xffff, v2  }
0x17f: {  	v1 =	vld [tilespmem:s24+$0xFFFFFF50];
	_ =	sdelay $0x5  }
0x180: {  	s30 =	sadd.s32 $0xFFFFFF50, s22  }
0x181: {  	v3 =	vor.u32 s30, v0  }
0x182: {  	[tilespmem:v1+s17+$0x0] =	vst.idx.msk $0xffff, v3  }
0x183: {  	v1 =	vld [tilespmem:s24+$0xFFFFFF60];
	_ =	sdelay $0x5  }
0x184: {  	s31 =	sadd.s32 $0xFFFFFF60, s22  }
0x185: {  	v4 =	vor.u32 s31, v0  }
0x186: {  	[tilespmem:v1+s17+$0x0] =	vst.idx.msk $0xffff, v4  }
0x187: {  	v1 =	vld [tilespmem:s24+$0xFFFFFF70];
	_ =	sdelay $0x5  }
0x188: {  	s28 =	sadd.s32 $0xFFFFFF70, s22  }
0x189: {  	v5 =	vor.u32 s28, v0  }
0x18a: {  	[tilespmem:v1+s17+$0x0] =	vst.idx.msk $0xffff, v5  }
0x18b: {  	v1 =	vld [tilespmem:s24+$0xFFFFFF80];
	_ =	sdelay $0x5  }
0x18c: {  	s29 =	sadd.s32 $0xFFFFFF80, s22  }
0x18d: {  	v6 =	vor.u32 s29, v0  }
0x18e: {  	[tilespmem:v1+s17+$0x0] =	vst.idx.msk $0xffff, v6  }
0x18f: {  	v1 =	vld [tilespmem:s24+$0xFFFFFF90];
	_ =	sdelay $0x5  }
0x190: {  	s30 =	sadd.s32 $0xFFFFFF90, s22  }
0x191: {  	v7 =	vor.u32 s30, v0  }
0x192: {  	[tilespmem:v1+s17+$0x0] =	vst.idx.msk $0xffff, v7  }
0x193: {  	v1 =	vld [tilespmem:s24+$0xFFFFFFA0];
	_ =	sdelay $0x5  }
0x194: {  	s31 =	sadd.s32 $0xFFFFFFA0, s22  }
0x195: {  	v8 =	vor.u32 s31, v0  }
0x196: {  	[tilespmem:v1+s17+$0x0] =	vst.idx.msk $0xffff, v8  }
0x197: {  	v1 =	vld [tilespmem:s24+$0xFFFFFFB0];
	_ =	sdelay $0x5  }
0x198: {  	s28 =	sadd.s32 $0xFFFFFFB0, s22  }
0x199: {  	v9 =	vor.u32 s28, v0  }
0x19a: {  	s26 =	sand.u32 $0x1FF8, s23;
	[tilespmem:v1+s17+$0x0] =	vst.idx.msk $0xffff, v9  }
0x19b: {  	v1 =	vld [tilespmem:s26+$0x80];
	_ =	sdelay $0x5  }
0x19c: {  	s28 =	sadd.s32 $0xFFFFFFC0, s22  }
0x19d: {  	v10 =	vor.u32 s28, v0  }
0x19e: {  	[tilespmem:v1+s17+$0x0] =	vst.idx.msk $0xffff, v10  }
0x19f: {  	v1 =	vld [tilespmem:s24+$0xFFFFFFD0];
	_ =	sdelay $0x5  }
0x1a0: {  	s29 =	sadd.s32 $0xFFFFFFD0, s22  }
0x1a1: {  	v11 =	vor.u32 s29, v0  }
0x1a2: {  	[tilespmem:v1+s17+$0x0] =	vst.idx.msk $0xffff, v11  }
0x1a3: {  	v1 =	vld [tilespmem:s24+$0xFFFFFFE0];
	_ =	sdelay $0x5  }
0x1a4: {  	s30 =	sadd.s32 $0xFFFFFFE0, s22  }
0x1a5: {  	v12 =	vor.u32 s30, v0  }
0x1a6: {  	[tilespmem:v1+s17+$0x0] =	vst.idx.msk $0xffff, v12  }
0x1a7: {  	v1 =	vld [tilespmem:s24+$0xFFFFFFF0];
	_ =	sdelay $0x5  }
0x1a8: {  	s31 =	sadd.s32 $0xFFFFFFF0, s22  }
0x1a9: {  	v13 =	vor.u32 s31, v0  }
0x1aa: {  	[tilespmem:v1+s17+$0x0] =	vst.idx.msk $0xffff, v13  }
0x1ab: {  	v1 =	vld [tilespmem:s24+$0x0];
	_ =	sdelay $0x6  }
0x1ac: {  	v14 =	vor.u32 s22, v0  }
0x1ad: {  	[tilespmem:v1+s17+$0x0] =	vst.idx.msk $0xff, v14  }
0x1ae: {  	v1 =	vld [tilespmem:s24+$0xFFFFFF40]  }
0x1af: {  	v15 =	vld [tilespmem:s24+$0xFFFFFF50]  }
0x1b0: {  	v16 =	vld [tilespmem:s24+$0xFFFFFF60]  }
0x1b1: {  	v17 =	vld [tilespmem:s25+$0xFFFFFF40]  }
0x1b2: {  	v19 =	vld [tilespmem:s24+$0xFFFFFF70]  }
0x1b3: {  	v20 =	vld [tilespmem:s25+$0xFFFFFF50]  }
0x1b4: {  	v22 =	vld [tilespmem:s24+$0xFFFFFF80]  }
0x1b5: {  	v23 =	vld [tilespmem:s25+$0xFFFFFF60]  }
0x1b6: {  	v25 =	vld [tilespmem:s25+$0xFFFFFF70]  }
0x1b7: {  	v26 =	vld [tilespmem:s24+$0xFFFFFF90]  }
0x1b8: {  	v28 =	vld [tilespmem:s24+$0xFFFFFFA0]  }
0x1b9: {  	v29 =	vld [tilespmem:s25+$0xFFFFFF80]  }
0x1ba: {  	v31 =	vld [tilespmem:s25+$0xFFFFFF90]  }
0x1bb: {  	v18 =	vld.idx.msk [tilespmem:v1+s17+$0x0], $0xffff  }
0x1bc: {  	v21 =	vld.idx.msk [tilespmem:v15+s17+$0x0], $0xffff  }
0x1bd: {  	v24 =	vld.idx.msk [tilespmem:v16+s17+$0x0], $0xffff  }
0x1be: {  	v32 =	vld [tilespmem:s24+$0xFFFFFFB0]  }
0x1bf: {  	v42 =	vld [tilespmem:s25+$0xFFFFFFA0]  }
0x1c0: {  	vm3 =	vne.s32 v1, $0x1;
	vm4 =	vne.s32 v15, $0x1;
	v27 =	vld.idx.msk [tilespmem:v19+s17+$0x0], $0xffff  }
0x1c1: {  	v45 =	vld [tilespmem:s24+$0xFFFFFFD0];
	v1 =	vadd.f32 $0.0e+00, v17;
	vm1 =	veq.s32 v18, v2;
	vm2 =	veq.s32 v21, v3  }
0x1c2: {  	v30 =	vld.idx.msk [tilespmem:v22+s17+$0x0], $0xffff;
	vm1 =	vmand vm3, vm1;
	vm2 =	vmand vm4, vm2;
	vm3 =	veq.s32 v24, v4  }
0x1c3: {  	v2 =	vld [tilespmem:s26+$0x80];
	v1 =	vnsel vm1, $0x0, v1;
	v43 =	vnsel vm2, $0x0, v20;
	vm1 =	vne.s32 v16, $0x1  }
0x1c4: {  	v3 =	vld.idx.msk [tilespmem:v26+s17+$0x0], $0xffff;
	v1 =	vadd.f32 v43, v1;
	vm1 =	vmand vm1, vm3  }
0x1c5: {  	v47 =	vld [tilespmem:s25+$0xFFFFFFB0];
	vm2 =	veq.s32 v27, v5;
	v46 =	vnsel vm1, $0x0, v23;
	vm1 =	vne.s32 v19, $0x1  }
0x1c6: {  	v48 =	vld [tilespmem:s24+$0xFFFFFFE0];
	v1 =	vadd.f32 v46, v1;
	vm1 =	vmand vm1, vm2  }
0x1c7: {  	v44 =	vld.idx.msk [tilespmem:v28+s17+$0x0], $0xffff;
	vm2 =	veq.s32 v30, v6;
	v49 =	vnsel vm1, $0x0, v25;
	vm1 =	vne.s32 v22, $0x1  }
0x1c8: {  	v52 =	vld [tilespmem:s24+$0xFFFFFFF0];
	v1 =	vadd.f32 v49, v1;
	vm1 =	vmand vm1, vm2  }
0x1c9: {  	v50 =	vld.idx.msk [tilespmem:v32+s17+$0x0], $0xffff;
	vm2 =	veq.s32 v3, v7;
	v3 =	vnsel vm1, $0x0, v29  }
0x1ca: {  	vm1 =	vne.s32 v26, $0x1;
	v1 =	vadd.f32 v3, v1;
	v3 =	vld [tilespmem:s24+$0x0]  }
0x1cb: {  	v51 =	vld.idx.msk [tilespmem:v2+s17+$0x0], $0xffff;
	vm1 =	vmand vm1, vm2  }
0x1cc: {  	v54 =	vld [tilespmem:s26+$0x1A00];
	vm2 =	veq.s32 v44, v8;
	v53 =	vnsel vm1, $0x0, v31;
	vm1 =	vne.s32 v28, $0x1  }
0x1cd: {  	v55 =	vld.idx.msk [tilespmem:v45+s17+$0x0], $0xffff;
	v1 =	vadd.f32 v53, v1;
	vm1 =	vmand vm1, vm2  }
0x1ce: {  	v56 =	vld [tilespmem:s25+$0xFFFFFFD0];
	vm2 =	veq.s32 v50, v9;
	v4 =	vnsel vm1, $0x0, v42;
	vm1 =	vne.s32 v32, $0x1  }
0x1cf: {  	v57 =	vld.idx.msk [tilespmem:v48+s17+$0x0], $0xffff;
	v1 =	vadd.f32 v4, v1;
	vm1 =	vmand vm1, vm2  }
0x1d0: {  	v60 =	vld.idx.msk [tilespmem:v52+s17+$0x0], $0xffff;
	vm2 =	veq.s32 v51, v10;
	v58 =	vnsel vm1, $0x0, v47;
	vm1 =	vne.s32 v2, $0x1  }
0x1d1: {  	v2 =	vld [tilespmem:s25+$0xFFFFFFE0];
	v1 =	vadd.f32 v58, v1;
	vm1 =	vmand vm1, vm2  }
0x1d2: {  	vm2 =	vne.s32 v45, $0x1;
	v59 =	vnsel vm1, $0x0, v54;
	vm1 =	veq.s32 v55, v11;
	v61 =	vld.idx.msk [tilespmem:v3+s17+$0x0], $0xff  }
0x1d3: {  	v62 =	vld [tilespmem:s25+$0xFFFFFFF0];
	v1 =	vadd.f32 v59, v1;
	vm1 =	vmand vm2, vm1  }
0x1d4: {  	vm2 =	vne.s32 v48, $0x1;
	v9 =	vnsel vm1, $0x0, v56;
	vm1 =	veq.s32 v57, v12  }
0x1d5: {  	v63 =	vld [tilespmem:s25+$0x0];
	vm3 =	vne.s32 v3, $0x1;
	v1 =	vadd.f32 v9, v1;
	vm1 =	vmand vm2, vm1  }
0x1d6: {  	vm2 =	vne.s32 v52, $0x1;
	v2 =	vnsel vm1, $0x0, v2;
	vm1 =	veq.s32 v60, v13  }
0x1d7: {  	v1 =	vadd.f32 v2, v1;
	vm1 =	vmand vm2, vm1;
	vm2 =	veq.s32 v61, v14  }
0x1d8: {  	v2 =	vnsel vm1, $0x0, v62;
	vm1 =	vmand vm3, vm2  }
0x1d9: {  	v1 =	vadd.f32 v2, v1;
	vm1 =	vmand vm1, vm0  }
0x1da: {  	v2 =	vnsel vm1, $0x0, v63  }
0x1db: {  	v1 =	vadd.f32 v2, v1;
	_ =	sdelay $0x1  }
0x1dc: {  	(xrf2) =	vadd.scan.msk.f32 $0xffff, v1;
	_ =	sdelay $0x7  }
0x1dd: {  	p1 =	sne.s32 s22, $0x1FC0;
	v1 =	vmov s21  }
.Ltmp3:
0x1de: {  	_ = 	snop;
	(pc) =	sbr.rel @p1 .LBB2_8-.Ltmp3, $4  }
0x1df: {  	v2, _, _ =	vpop (xrf2)  }
0x1e0: {  	v2 =	vbroadcast v2, $0xF  }
0x1e1: {  	s23 =	sadd.s32 $0xC8, s23;
	s22 =	sadd.s32 $0x100, s22  }
0x1e2: {  	s24 =	sadd.s32 $0xC8, s24;
	s25 =	sadd.s32 $0xC8, s25;
	s21 =	sadd.s32 $0x1, s21;
	[tilespmem:v1+s18+$0x0] =	vst.idx.msk $0x1, v2  }
0x1e3: {  	_ =	strace $0x90000053;
	s20 =	sadd.s32 $0x1, s20  }
0x1e4: {  	_ =	strace $0x80000054;
	p1 =	sne.s32 s20, s6  }
0x1e5: {  	[hbm4b:s5+s3] =	stream.linear.scatter [tilespmem:s18], [sflag:$0x3], $0x20, $0x200038;
	[tilespmem:$0x1D2F0] =	vst v63  }
.Ltmp4:
0x1e6: {  	_ = 	snop;
	(pc) =	sbr.rel @p1 .LBB2_1-.Ltmp4, $4  }
0x1e7: {  	_ =	swait.ge [sflag:s19], $0x20  }
0x1e8: {  	[sflag:s19] =	ssyncset.done $0x0  }
0x1e9: {  	[sflag:s19] =	ssyncadd.s32 $0xFFFFFFE0  }
0x1ea: {  	_ =	strace $0x90000054  }
0x1eb: {  	_ =	sfence.sel $0x180000  }
0x1ec: {  	[bflag:$0x0] =	sbarrier.arrive $0xFFFF  }
0x1ed: {  	_ =	strace $0x90000047  }
0x1ee: {  	s0 =	sadd.s32 @!p0 $0x100000, s1;
	[bflag:$0x2] =	sbarrier.arrive $0xFFFF  }
0x1ef: {  	[sflag:s0] =	ssyncadd.tile.s32 @!p0 $0x1;
	_ =	shalt  }
.Lfunc_end2:
_tile_overlayer_lowered:
.L_overlay_start_2:
0x1f0: {  	(tag) =	ssettag $0x2  }
0x1f1: {  	s0 =	rddreg [dreg:$0x0];
	s2 =	stileid.u32  }
0x1f2: {  	s1 =	rddreg [dreg:$0x1];
	p0 =	sne.s32 s2, $0x0  }
0x1f3: {  	s3 =	rddreg [dreg:$0x2];
	[bflag:$0x3] =	sbarrier.arrive $0xFFFF;
	s2 =	simm.s32 @!p0 $0x1C03  }
0x1f4: {  	[timem:s3], [sflag:s2] =	dma.local @!p0 [hbm:s0], s1  }
0x1f5: {  	s0 =	simm.s32 @!p0 $0x3  }
0x1f6: {  	_ =	swait.ge @!p0 [sflag:s0], s1  }
0x1f7: {  	s1 =	ssub.s32 @!p0 $0x0, s1;
	[sflag:s0] =	ssyncset.done @!p0 $0x0  }
0x1f8: {  	[sflag:s0] =	ssyncadd.s32 @!p0 s1  }
0x1f9: {  	[bflag:$0x3] =	sbarrier.arrive $0xFFFF  }
0x1fa: {  	_ =	shalt  }

</sc_bundles>
